<compile_context>
chip_gen: v7x
topology: tpu7x:2x2x1
jax: 0.10.2.dev20260603
libtpu: 0.0.44.dev20260713+nightly
codegen_flags: <defaults>
</compile_context>

<pallas_src>
import functools

import jax
import jax.numpy as jnp
from jax import lax
from jax.experimental import pallas as pl
from jax.experimental.pallas import tpu as pltpu
from jax.experimental.pallas import tpu_sc as plsc

N = 4096
D = 128
E = 131072
DE = 4

NC = 2
NS = 16
L = 16
NW = NC * NS

EPT = E // NW
CA = 1024
A_CHUNKS = EPT // CA
A_GROUPS = CA // L
A_IDX_ROWS = CA // 128

NG = D // L
NQ = NW // NG
CPQ = E // NQ
BC = 2048
B_CHUNKS = CPQ // BC
B_IDX_ROWS = BC // 128


def _tc_prologue(ns, kl, kr, ka, ke):
    def body(ns_ref, kl_ref, kr_ref, ka_ref, ke_ref, right_ref, aux_ref):
        x = ns_ref[...]
        left = jnp.dot(x, kl_ref[...], preferred_element_type=jnp.float32)
        right = jnp.dot(x, kr_ref[...], preferred_element_type=jnp.float32)
        right_ref[...] = right
        lrelu = lambda v: jnp.where(v >= 0, v, 0.2 * v)
        ka = ka_ref[...]
        a_l = jnp.dot(lrelu(left), ka[:D], preferred_element_type=jnp.float32)
        a_r = jnp.dot(lrelu(right), ka[D:2 * D], preferred_element_type=jnp.float32)
        we = jnp.dot(ke_ref[...], ka[2 * D:2 * D + DE],
                     preferred_element_type=jnp.float32)
        aux_ref[0, :] = a_l[:, 0]
        aux_ref[1, :] = a_r[:, 0]
        aux_ref[2, :] = jnp.concatenate(
            [jnp.broadcast_to(we[k:k + 1, 0], (16,)) for k in range(DE)]
            + [jnp.zeros((N - DE * 16,), jnp.float32)])

    return pl.pallas_call(
        body,
        out_shape=(
            jax.ShapeDtypeStruct((N, D), jnp.float32),
            jax.ShapeDtypeStruct((3, N), jnp.float32),
        ),
    )(ns, kl, kr, ka, ke)


def _sc_scores(src, dst, ef_flat, aux):
    def body(src_h, dst_h, ef_h, aux_h, s_out, sp_out,
             src_v, dst_v, al_v, ar_v, we_v, efidx, ef_rows, s_v, lsums,
             spart, sem):
        iota = lax.iota(jnp.int32, L)
        wid = lax.axis_index("s") * NC + lax.axis_index("c")
        base_e = wid * EPT
        pltpu.sync_copy(src_h.at[pl.ds(base_e, EPT)], src_v)
        pltpu.sync_copy(dst_h.at[pl.ds(base_e, EPT)], dst_v)
        pltpu.sync_copy(aux_h.at[0], al_v)
        pltpu.sync_copy(aux_h.at[1], ar_v)
        pltpu.sync_copy(aux_h.at[2, pl.ds(0, DE * L)], we_v)

        zeros = jnp.zeros((L,), jnp.float32)

        def zero(i, c):
            plsc.store_scatter(
                lsums, [iota, jnp.full((L,), i, jnp.int32)], zeros)
            return c
        lax.fori_loop(0, N, zero, 0)

        def chunkA(ci, c):
            coff = ci * CA

            def build(g, cc):
                e16 = coff + g * L + iota
                s16 = plsc.load_gather(src_v, [e16])
                d16 = plsc.load_gather(dst_v, [e16])
                ridx = s16 * (N // 4) + lax.shift_right_logical(d16, 2)
                plsc.store_scatter(
                    efidx, [jnp.full((L,), g // 8, jnp.int32),
                            (g % 8) * L + iota], ridx)
                return cc
            lax.fori_loop(0, A_GROUPS, build, 0)

            copies = []
            for j in range(A_IDX_ROWS):
                copies.append(pltpu.async_copy(
                    ef_h.at[efidx.at[j]], ef_rows.at[pl.ds(j * 128, 128)],
                    sem))
            for cp in copies:
                cp.wait()

            def grp(g, cc):
                e16 = coff + g * L + iota
                el16 = g * L + iota
                s16 = plsc.load_gather(src_v, [e16])
                d16 = plsc.load_gather(dst_v, [e16])
                acc = (plsc.load_gather(al_v, [s16])
                       + plsc.load_gather(ar_v, [d16]))
                sub4 = (d16 & 3) * DE
                for k in range(DE):
                    col = plsc.load_gather(ef_rows, [el16, sub4 + k])
                    acc = acc + col * we_v[pl.ds(k * L, L)]
                sc = jnp.exp(jnp.clip(acc, -2.0, 2.0))
                plsc.store_scatter(s_v, [e16], sc)
                plsc.addupdate_scatter(lsums, [iota, s16], sc)
                return cc
            lax.fori_loop(0, A_GROUPS, grp, 0)
            return c
        lax.fori_loop(0, A_CHUNKS, chunkA, 0)

        def red(i, c):
            col = i * L + iota

            def red_l(l, acc):
                return acc + plsc.load_gather(
                    lsums, [jnp.full((L,), l, jnp.int32), col])
            acc = lax.fori_loop(0, L, red_l, jnp.zeros((L,), jnp.float32))
            plsc.store_scatter(spart, [col], acc)
            return c
        lax.fori_loop(0, N // L, red, 0)

        pltpu.sync_copy(s_v, s_out.at[pl.ds(base_e, EPT)])
        pltpu.sync_copy(spart, sp_out.at[wid])

    f = pl.kernel(
        body,
        out_type=(
            jax.ShapeDtypeStruct((E,), jnp.float32),
            jax.ShapeDtypeStruct((NW, N), jnp.float32),
        ),
        mesh=plsc.VectorSubcoreMesh(core_axis_name="c", subcore_axis_name="s"),
        compiler_params=pltpu.CompilerParams(needs_layout_passes=False, use_tc_tiling_on_sc=False),
        scratch_types=[
            pltpu.VMEM((EPT,), jnp.int32),
            pltpu.VMEM((EPT,), jnp.int32),
            pltpu.VMEM((N,), jnp.float32),
            pltpu.VMEM((N,), jnp.float32),
            pltpu.VMEM((DE * L,), jnp.float32),
            pltpu.VMEM((A_IDX_ROWS, 128), jnp.int32),
            pltpu.VMEM((CA, L), jnp.float32),
            pltpu.VMEM((EPT,), jnp.float32),
            pltpu.VMEM((L, N), jnp.float32),
            pltpu.VMEM((N,), jnp.float32),
            pltpu.SemaphoreType.DMA,
        ],
    )
    return f(src, dst, ef_flat, aux)


def _sc_accum(src, dst, s_all, right8):
    def body(src_h, dst_h, s_h, r8_h, part_out,
             src_c, dst_c, s_c, didx, rows, outloc, sem):
        iota = lax.iota(jnp.int32, L)
        wid = lax.axis_index("s") * NC + lax.axis_index("c")
        g = wid // NQ
        q = wid % NQ
        zeros = jnp.zeros((L,), jnp.float32)

        def zero(i, c):
            plsc.store_scatter(
                outloc, [jnp.full((L,), i, jnp.int32), iota], zeros)
            return c
        lax.fori_loop(0, N, zero, 0)

        def chunk(cidx, c):
            off = q * CPQ + cidx * BC
            pltpu.sync_copy(src_h.at[pl.ds(off, BC)], src_c)
            pltpu.sync_copy(dst_h.at[pl.ds(off, BC)], dst_c)
            pltpu.sync_copy(s_h.at[pl.ds(off, BC)], s_c)

            def bld(t, cc):
                d16 = plsc.load_gather(dst_c, [t * L + iota])
                plsc.store_scatter(
                    didx, [jnp.full((L,), t // 8, jnp.int32),
                           (t % 8) * L + iota], d16 * NG + g)
                return cc
            lax.fori_loop(0, BC // L, bld, 0)

            copies = []
            for j in range(B_IDX_ROWS):
                copies.append(pltpu.async_copy(
                    r8_h.at[didx.at[j]], rows.at[pl.ds(j * 128, 128)], sem))
            for cp in copies:
                cp.wait()

            def edge(e, cc):
                eidx = jnp.full((L,), e, jnp.int32)
                v = plsc.load_gather(rows, [eidx, iota])
                s_e = plsc.load_gather(s_c, [eidx])
                src_e = plsc.load_gather(src_c, [eidx])
                plsc.addupdate_scatter(outloc, [src_e, iota], v * s_e)
                return cc
            lax.fori_loop(0, BC, edge, 0)
            return c
        lax.fori_loop(0, B_CHUNKS, chunk, 0)

        pltpu.sync_copy(outloc, part_out.at[q, :, pl.ds(g * L, L)])

    f = pl.kernel(
        body,
        out_type=jax.ShapeDtypeStruct((NQ, N, D), jnp.float32),
        mesh=plsc.VectorSubcoreMesh(core_axis_name="c", subcore_axis_name="s"),
        compiler_params=pltpu.CompilerParams(needs_layout_passes=False, use_tc_tiling_on_sc=False),
        scratch_types=[
            pltpu.VMEM((BC,), jnp.int32),
            pltpu.VMEM((BC,), jnp.int32),
            pltpu.VMEM((BC,), jnp.float32),
            pltpu.VMEM((B_IDX_ROWS, 128), jnp.int32),
            pltpu.VMEM((BC, L), jnp.float32),
            pltpu.VMEM((N, L), jnp.float32),
            pltpu.SemaphoreType.DMA,
        ],
    )
    return f(src, dst, s_all, right8)


def _tc_epilogue(partials, sumsp_t):
    def body(part_ref, spt_ref, out_ref):
        acc = (part_ref[0] + part_ref[1] + part_ref[2] + part_ref[3])
        sums_col = jnp.dot(spt_ref[...], jnp.ones((NW, 1), jnp.float32),
                           preferred_element_type=jnp.float32)
        inv = jnp.where(sums_col > 0,
                        1.0 / jnp.maximum(sums_col, 1e-30), 0.0)
        out_ref[...] = acc * inv

    return pl.pallas_call(
        body,
        out_shape=jax.ShapeDtypeStruct((N, D), jnp.float32),
    )(partials, sumsp_t)


def kernel(node_states, edges, edge_features, kernel_left, kernel_right,
           kernel_attention, kernel_edge):
    ns = node_states[0]
    src = edges[0, :, 0]
    dst = edges[0, :, 1]
    ef_flat = edge_features.reshape(N * N // 4, 4 * DE)

    right, aux = _tc_prologue(ns, kernel_left, kernel_right,
                              kernel_attention, kernel_edge)
    s_all, sumsp = _sc_scores(src, dst, ef_flat, aux)
    partials = _sc_accum(src, dst, s_all, right.reshape(N * NG, L))
    out = _tc_epilogue(partials, sumsp.T)
    return out[None]

# --- scband reference (transcript-rebuilt; emitter-appended) ---
"""Pipeline reference for scband-graph-attention-v2-30167850287778 (READ-ONLY COPY).

The authoritative reference and input builder live on the scoring server;
editing this copy changes nothing except your own understanding.
"""

import jax, jax.numpy as jnp
import numpy as np

N = 4096
E = 131072
D_FEAT = 128
D_EDGE = 4
UNITS = 128


def _glorot(k, shape):
    limit = np.sqrt(6.0 / (shape[0] + shape[1]))
    return jax.random.uniform(k, shape, dtype=jnp.float32, minval=-limit, maxval=limit)


def setup_inputs(seed: int = 0) -> dict:
    key = jax.random.key(seed)
    ks = jax.random.split(key, 8)
    node_states = jax.random.normal(ks[0], (1, N, D_FEAT), dtype=jnp.float32)
    # NOTE: original TF code uses tf.repeat(segment_sums, bincount(src)) which only
    # aligns with per-edge scores when edges are sorted by source node -> sort src.
    src = jnp.sort(jax.random.randint(ks[1], (E,), 0, N))
    dst = jax.random.randint(ks[2], (E,), 0, N)
    edges = jnp.stack([src, dst], axis=-1)[None, :, :].astype(jnp.int32)
    edge_features = jax.random.normal(ks[3], (1, N, N, D_EDGE), dtype=jnp.float32)
    kernel_left = _glorot(ks[4], (D_FEAT, UNITS))
    kernel_right = _glorot(ks[5], (D_FEAT, UNITS))
    kernel_attention = _glorot(ks[6], (UNITS * 2 + D_EDGE, 1))
    kernel_edge = _glorot(ks[7], (D_EDGE, D_EDGE))
    return {"node_states": node_states, "edges": edges, "edge_features": edge_features,
            "kernel_left": kernel_left, "kernel_right": kernel_right,
            "kernel_attention": kernel_attention, "kernel_edge": kernel_edge}


def reference(node_states, edges, edge_features, kernel_left, kernel_right, kernel_attention, kernel_edge):
    ns = node_states[0]
    e = edges[0]
    ef = edge_features[0]
    left = ns @ kernel_left
    right = ns @ kernel_right
    expanded = jnp.concatenate([jnp.take(left, e[:, 0], axis=0),
                                jnp.take(right, e[:, 1], axis=0)], axis=-1)
    expanded = jax.nn.leaky_relu(expanded, negative_slope=0.2)
    ef_g = ef[e[:, 0], e[:, 1]]
    ef_t = ef_g @ kernel_edge
    expanded = jnp.concatenate([expanded, ef_t], axis=-1)
    scores = jnp.squeeze(expanded @ kernel_attention, -1)
    scores = jnp.exp(jnp.clip(scores, -2.0, 2.0))
    seg = e[:, 0]
    sums = jax.ops.segment_sum(scores, seg, num_segments=N)
    counts = jnp.bincount(seg, length=N)
    denom = jnp.repeat(sums, counts, total_repeat_length=E)
    norm = scores / denom
    neighbors = jnp.take(right, e[:, 1], axis=0)
    out = jax.ops.segment_sum(neighbors * norm[:, None], seg, num_segments=N)
    return out[None, :, :]

if __name__ == "__main__":
    import jax
    _d = setup_inputs()
    print(jax.jit(kernel)(*tuple(_d.values())))

</pallas_src>

<mosaic_0001>
#map = affine_map<(d0, d1) -> (0)>
#map1 = affine_map<(d0, d1) -> (0, 0)>
#map2 = affine_map<(d0, d1) -> (0, 0, 0)>
module attributes {stable_mosaic.version = 14 : i64} {
  func.func @body(%arg0: i32, %arg1: i32, %arg2: memref<131072xi32, #tpu.memory_space<hbm>>, %arg3: memref<131072xi32, #tpu.memory_space<hbm>>, %arg4: memref<131072xf32, #tpu.memory_space<hbm>>, %arg5: memref<32768x16xf32, #tpu.memory_space<hbm>>, %arg6: memref<4x4096x128xf32, #tpu.memory_space<hbm>>, %arg7: memref<2048xi32, #tpu.memory_space<vmem>>, %arg8: memref<2048xi32, #tpu.memory_space<vmem>>, %arg9: memref<2048xf32, #tpu.memory_space<vmem>>, %arg10: memref<16x128xi32, #tpu.memory_space<vmem>>, %arg11: memref<2048x16xf32, #tpu.memory_space<vmem>>, %arg12: memref<4096x16xf32, #tpu.memory_space<vmem>>, %arg13: memref<!tpu.dma_semaphore, #tpu.memory_space<semaphore_mem>>) attributes {dimension_semantics = [#tpu.dimension_semantics<core_parallel>, #tpu.dimension_semantics<subcore_parallel>], iteration_bounds = array<i64: 2, 16>, scalar_prefetch = 0 : i64, scratch_operands = 7 : i64, tpu.core_type = #tpu.core_type<sc_vector_subcore>, window_params = [{transform_indices = #map}, {transform_indices = #map}, {transform_indices = #map}, {transform_indices = #map1}, {transform_indices = #map2}]} {
    %iota3A = tpu.iota {dimensions = array<i32: 0>} : vector<16xi32>
    %mul3A = arith.constant 2 : i32
    %mul3A_0 = arith.muli %arg1, %mul3A : i32
    %add3A = arith.addi %mul3A_0, %arg0 : i32
    %jit3A = arith.constant 4 : i32
    %div3A = arith.divsi %add3A, %jit3A : i32
    %sign3A = arith.constant 0 : i32
    %sign3A_1 = arith.cmpi sgt, %add3A, %sign3A : i32
    %sign3A_2 = arith.extui %sign3A_1 : i1 to i32
    %sign3A_3 = arith.constant 0 : i32
    %sign3A_4 = arith.cmpi slt, %add3A, %sign3A_3 : i32
    %sign3A_5 = arith.extui %sign3A_4 : i1 to i32
    %sign3A_6 = arith.subi %sign3A_2, %sign3A_5 : i32
    %sign3A_7 = arith.constant 0 : i32
    %sign3A_8 = arith.cmpi sgt, %jit3A, %sign3A_7 : i32
    %sign3A_9 = arith.extui %sign3A_8 : i1 to i32
    %sign3A_10 = arith.constant 0 : i32
    %sign3A_11 = arith.cmpi slt, %jit3A, %sign3A_10 : i32
    %sign3A_12 = arith.extui %sign3A_11 : i1 to i32
    %sign3A_13 = arith.subi %sign3A_9, %sign3A_12 : i32
    %ne3A = arith.cmpi ne, %sign3A_6, %sign3A_13 : i32
    %rem3A = arith.remsi %add3A, %jit3A : i32
    %ne3A_14 = arith.constant 0 : i32
    %ne3A_15 = arith.cmpi ne, %rem3A, %ne3A_14 : i32
    %and3A = arith.andi %ne3A, %ne3A_15 : i1
    %sub3A = arith.constant 1 : i32
    %sub3A_16 = arith.subi %div3A, %sub3A : i32
    %select_n3A = arith.select %and3A, %sub3A_16, %div3A : i32
    %jit3A_17 = arith.constant 4 : i32
    %eq3A = arith.constant 0 : i32
    %eq3A_18 = arith.cmpi eq, %jit3A_17, %eq3A : i32
    %jit3A_19 = arith.constant 1 : i32
    %select_n3A_20 = arith.select %eq3A_18, %jit3A_19, %jit3A_17 : i32
    %rem3A_21 = arith.remsi %add3A, %select_n3A_20 : i32
    %ne3A_22 = arith.constant 0 : i32
    %ne3A_23 = arith.cmpi ne, %rem3A_21, %ne3A_22 : i32
    %lt3A = arith.constant 0 : i32
    %lt3A_24 = arith.cmpi slt, %rem3A_21, %lt3A : i32
    %lt3A_25 = arith.constant 0 : i32
    %lt3A_26 = arith.cmpi slt, %select_n3A_20, %lt3A_25 : i32
    %ne3A_27 = arith.xori %lt3A_24, %lt3A_26 : i1
    %and3A_28 = arith.andi %ne3A_27, %ne3A_23 : i1
    %add3A_29 = arith.addi %rem3A_21, %select_n3A_20 : i32
    %select_n3A_30 = arith.select %and3A_28, %add3A_29, %rem3A_21 : i32
    %broadcast_in_dim3A = arith.constant 0.000000e+00 : f32
    %broadcast_in_dim3A_31 = vector.broadcast %broadcast_in_dim3A : f32 to vector<16xf32>
    %scan3A = arith.constant 0 : i32
    %scan3A_32 = arith.constant 0 : i32
    %scan3A_33 = arith.constant 4096 : i32
    %scan3A_34 = arith.addi %scan3A_32, %scan3A_33 : i32
    %scan3A_35 = arith.constant 1 : i32
    scf.for %scan3A_45 = %scan3A_32 to %scan3A_34 step %scan3A_35  : i32 {
      %broadcast_in_dim3A_46 = vector.broadcast %scan3A_45 : i32 to vector<16xi32>
      tpu.vector_store_idx %arg12[%broadcast_in_dim3A_46, %iota3A], %broadcast_in_dim3A_31 : memref<4096x16xf32, #tpu.memory_space<vmem>>[vector<16xi32>, vector<16xi32>], vector<16xf32>,
    }
    %scan3A_36 = arith.constant 4096 : i32
    %scan3A_37 = arith.constant 0 : i32
    %scan3A_38 = arith.constant 0 : i32
    %scan3A_39 = arith.constant 16 : i32
    %scan3A_40 = arith.addi %scan3A_38, %scan3A_39 : i32
    %scan3A_41 = arith.constant 1 : i32
    scf.for %scan3A_45 = %scan3A_38 to %scan3A_40 step %scan3A_41  : i32 {
      %mul3A_46 = arith.constant 32768 : i32
      %mul3A_47 = arith.muli %select_n3A_30, %mul3A_46 : i32
      %mul3A_48 = arith.constant 2048 : i32
      %mul3A_49 = arith.muli %scan3A_45, %mul3A_48 : i32
      %add3A_50 = arith.addi %mul3A_47, %mul3A_49 : i32
      "tpu.region"() ({
        %run_scoped3A = tpu.sem_alloc : memref<!tpu.dma_semaphore, #tpu.memory_space<semaphore_mem>>
        %dma_start3A_381 = tpu.memref_slice %arg2[%add3A_50] : memref<131072xi32, #tpu.memory_space<hbm>> -> memref<2048xi32, #tpu.memory_space<hbm>>
        %dma_start3A_382 = tpu.memref_slice %arg2[%add3A_50] : memref<131072xi32, #tpu.memory_space<hbm>> -> memref<2048xi32, #tpu.memory_space<hbm>>
        tpu.enqueue_dma source(%dma_start3A_382 : memref<2048xi32, #tpu.memory_space<hbm>>) target(%arg7 : memref<2048xi32, #tpu.memory_space<vmem>>) target_semaphore(%run_scoped3A : memref<!tpu.dma_semaphore, #tpu.memory_space<semaphore_mem>>)
        %dma_wait3A_383 = tpu.memref_slice %arg2[%add3A_50] : memref<131072xi32, #tpu.memory_space<hbm>> -> memref<2048xi32, #tpu.memory_space<hbm>>
        %dma_wait3A_384 = tpu.memref_slice %arg2[%add3A_50] : memref<131072xi32, #tpu.memory_space<hbm>> -> memref<2048xi32, #tpu.memory_space<hbm>>
        tpu.wait_dma2 semaphore(%run_scoped3A : memref<!tpu.dma_semaphore, #tpu.memory_space<semaphore_mem>>) src(%dma_wait3A_384 : memref<2048xi32, #tpu.memory_space<hbm>>) dst(%arg7 : memref<2048xi32, #tpu.memory_space<vmem>>)
        tpu.yield
      }) : () -> ()
      "tpu.region"() ({
        %run_scoped3A = tpu.sem_alloc : memref<!tpu.dma_semaphore, #tpu.memory_space<semaphore_mem>>
        %dma_start3A_381 = tpu.memref_slice %arg3[%add3A_50] : memref<131072xi32, #tpu.memory_space<hbm>> -> memref<2048xi32, #tpu.memory_space<hbm>>
        %dma_start3A_382 = tpu.memref_slice %arg3[%add3A_50] : memref<131072xi32, #tpu.memory_space<hbm>> -> memref<2048xi32, #tpu.memory_space<hbm>>
        tpu.enqueue_dma source(%dma_start3A_382 : memref<2048xi32, #tpu.memory_space<hbm>>) target(%arg8 : memref<2048xi32, #tpu.memory_space<vmem>>) target_semaphore(%run_scoped3A : memref<!tpu.dma_semaphore, #tpu.memory_space<semaphore_mem>>)
        %dma_wait3A_383 = tpu.memref_slice %arg3[%add3A_50] : memref<131072xi32, #tpu.memory_space<hbm>> -> memref<2048xi32, #tpu.memory_space<hbm>>
        %dma_wait3A_384 = tpu.memref_slice %arg3[%add3A_50] : memref<131072xi32, #tpu.memory_space<hbm>> -> memref<2048xi32, #tpu.memory_space<hbm>>
        tpu.wait_dma2 semaphore(%run_scoped3A : memref<!tpu.dma_semaphore, #tpu.memory_space<semaphore_mem>>) src(%dma_wait3A_384 : memref<2048xi32, #tpu.memory_space<hbm>>) dst(%arg8 : memref<2048xi32, #tpu.memory_space<vmem>>)
        tpu.yield
      }) : () -> ()
      "tpu.region"() ({
        %run_scoped3A = tpu.sem_alloc : memref<!tpu.dma_semaphore, #tpu.memory_space<semaphore_mem>>
        %dma_start3A_381 = tpu.memref_slice %arg4[%add3A_50] : memref<131072xf32, #tpu.memory_space<hbm>> -> memref<2048xf32, #tpu.memory_space<hbm>>
        %dma_start3A_382 = tpu.memref_slice %arg4[%add3A_50] : memref<131072xf32, #tpu.memory_space<hbm>> -> memref<2048xf32, #tpu.memory_space<hbm>>
        tpu.enqueue_dma source(%dma_start3A_382 : memref<2048xf32, #tpu.memory_space<hbm>>) target(%arg9 : memref<2048xf32, #tpu.memory_space<vmem>>) target_semaphore(%run_scoped3A : memref<!tpu.dma_semaphore, #tpu.memory_space<semaphore_mem>>)
        %dma_wait3A_383 = tpu.memref_slice %arg4[%add3A_50] : memref<131072xf32, #tpu.memory_space<hbm>> -> memref<2048xf32, #tpu.memory_space<hbm>>
        %dma_wait3A_384 = tpu.memref_slice %arg4[%add3A_50] : memref<131072xf32, #tpu.memory_space<hbm>> -> memref<2048xf32, #tpu.memory_space<hbm>>
        tpu.wait_dma2 semaphore(%run_scoped3A : memref<!tpu.dma_semaphore, #tpu.memory_space<semaphore_mem>>) src(%dma_wait3A_384 : memref<2048xf32, #tpu.memory_space<hbm>>) dst(%arg9 : memref<2048xf32, #tpu.memory_space<vmem>>)
        tpu.yield
      }) : () -> ()
      %scan3A_51 = arith.constant 0 : i32
      %scan3A_52 = arith.constant 0 : i32
      %scan3A_53 = arith.constant 128 : i32
      %scan3A_54 = arith.addi %scan3A_52, %scan3A_53 : i32
      %scan3A_55 = arith.constant 1 : i32
      scf.for %scan3A_381 = %scan3A_52 to %scan3A_54 step %scan3A_55  : i32 {
        %mul3A_382 = arith.constant 16 : i32
        %mul3A_383 = arith.muli %scan3A_381, %mul3A_382 : i32
        %add3A_384 = vector.broadcast %mul3A_383 : i32 to vector<16xi32>
        %add3A_385 = arith.addi %add3A_384, %iota3A : vector<16xi32>
        %gather3A = tpu.vector_load_idx %arg8[%add3A_385] : memref<2048xi32, #tpu.memory_space<vmem>>[vector<16xi32>], vector<16xi32>,
        %jit3A_386 = arith.constant 8 : i32
        %div3A_387 = arith.divsi %scan3A_381, %jit3A_386 : i32
        %sign3A_388 = arith.constant 0 : i32
        %sign3A_389 = arith.cmpi sgt, %scan3A_381, %sign3A_388 : i32
        %sign3A_390 = arith.extui %sign3A_389 : i1 to i32
        %sign3A_391 = arith.constant 0 : i32
        %sign3A_392 = arith.cmpi slt, %scan3A_381, %sign3A_391 : i32
        %sign3A_393 = arith.extui %sign3A_392 : i1 to i32
        %sign3A_394 = arith.subi %sign3A_390, %sign3A_393 : i32
        %sign3A_395 = arith.constant 0 : i32
        %sign3A_396 = arith.cmpi sgt, %jit3A_386, %sign3A_395 : i32
        %sign3A_397 = arith.extui %sign3A_396 : i1 to i32
        %sign3A_398 = arith.constant 0 : i32
        %sign3A_399 = arith.cmpi slt, %jit3A_386, %sign3A_398 : i32
        %sign3A_400 = arith.extui %sign3A_399 : i1 to i32
        %sign3A_401 = arith.subi %sign3A_397, %sign3A_400 : i32
        %ne3A_402 = arith.cmpi ne, %sign3A_394, %sign3A_401 : i32
        %rem3A_403 = arith.remsi %scan3A_381, %jit3A_386 : i32
        %ne3A_404 = arith.constant 0 : i32
        %ne3A_405 = arith.cmpi ne, %rem3A_403, %ne3A_404 : i32
        %and3A_406 = arith.andi %ne3A_402, %ne3A_405 : i1
        %sub3A_407 = arith.constant 1 : i32
        %sub3A_408 = arith.subi %div3A_387, %sub3A_407 : i32
        %select_n3A_409 = arith.select %and3A_406, %sub3A_408, %div3A_387 : i32
        %broadcast_in_dim3A_410 = vector.broadcast %select_n3A_409 : i32 to vector<16xi32>
        %jit3A_411 = arith.constant 8 : i32
        %eq3A_412 = arith.constant 0 : i32
        %eq3A_413 = arith.cmpi eq, %jit3A_411, %eq3A_412 : i32
        %jit3A_414 = arith.constant 1 : i32
        %select_n3A_415 = arith.select %eq3A_413, %jit3A_414, %jit3A_411 : i32
        %rem3A_416 = arith.remsi %scan3A_381, %select_n3A_415 : i32
        %ne3A_417 = arith.constant 0 : i32
        %ne3A_418 = arith.cmpi ne, %rem3A_416, %ne3A_417 : i32
        %lt3A_419 = arith.constant 0 : i32
        %lt3A_420 = arith.cmpi slt, %rem3A_416, %lt3A_419 : i32
        %lt3A_421 = arith.constant 0 : i32
        %lt3A_422 = arith.cmpi slt, %select_n3A_415, %lt3A_421 : i32
        %ne3A_423 = arith.xori %lt3A_420, %lt3A_422 : i1
        %and3A_424 = arith.andi %ne3A_423, %ne3A_418 : i1
        %add3A_425 = arith.addi %rem3A_416, %select_n3A_415 : i32
        %select_n3A_426 = arith.select %and3A_424, %add3A_425, %rem3A_416 : i32
        %mul3A_427 = arith.constant 16 : i32
        %mul3A_428 = arith.muli %select_n3A_426, %mul3A_427 : i32
        %add3A_429 = vector.broadcast %mul3A_428 : i32 to vector<16xi32>
        %add3A_430 = arith.addi %add3A_429, %iota3A : vector<16xi32>
        %mul3A_431 = arith.constant 8 : i32
        %mul3A_432 = vector.broadcast %mul3A_431 : i32 to vector<16xi32>
        %mul3A_433 = arith.muli %gather3A, %mul3A_432 : vector<16xi32>
        %add3A_434 = vector.broadcast %select_n3A : i32 to vector<16xi32>
        %add3A_435 = arith.addi %mul3A_433, %add3A_434 : vector<16xi32>
        tpu.vector_store_idx %arg10[%broadcast_in_dim3A_410, %add3A_430], %add3A_435 : memref<16x128xi32, #tpu.memory_space<vmem>>[vector<16xi32>, vector<16xi32>], vector<16xi32>,
      }
      %scan3A_56 = arith.constant 128 : i32
      %dma_start3A = arith.constant 0 : i32
      %dma_start3A_57 = arith.constant 0 : i32
      %dma_start3A_58 = arith.constant 0 : i32
      %dma_start3A_59 = tpu.memref_slice %arg11[%dma_start3A_57, %dma_start3A_58] : memref<2048x16xf32, #tpu.memory_space<vmem>> -> memref<128x16xf32, #tpu.memory_space<vmem>>
      %dma_start3A_60 = arith.constant 0 : i32
      %dma_start3A_61 = tpu.memref_slice %arg10[%dma_start3A, %dma_start3A_60] : memref<16x128xi32, #tpu.memory_space<vmem>> -> memref<1x128xi32, #tpu.memory_space<vmem>>
      %dma_start3A_62 = tpu.memref_squeeze %dma_start3A_61 : memref<1x128xi32, #tpu.memory_space<vmem>> -> memref<128xi32, #tpu.memory_space<vmem>>
      %dma_start3A_63 = arith.constant 0 : i32
      %dma_start3A_64 = arith.constant 0 : i32
      %dma_start3A_65 = tpu.memref_slice %arg5[%dma_start3A_63, %dma_start3A_64] : memref<32768x16xf32, #tpu.memory_space<hbm>> -> memref<32768x16xf32, #tpu.memory_space<hbm>>
      tpu.enqueue_indirect_dma source(%dma_start3A_65 : memref<32768x16xf32, #tpu.memory_space<hbm>>) target(%dma_start3A_59 : memref<128x16xf32, #tpu.memory_space<vmem>>) offsets(%dma_start3A_62 : memref<128xi32, #tpu.memory_space<vmem>>) semaphore(%arg13 : memref<!tpu.dma_semaphore, #tpu.memory_space<semaphore_mem>>)
      %dma_start3A_66 = arith.constant 1 : i32
      %dma_start3A_67 = arith.constant 128 : i32
      %dma_start3A_68 = arith.constant 0 : i32
      %dma_start3A_69 = tpu.memref_slice %arg11[%dma_start3A_67, %dma_start3A_68] : memref<2048x16xf32, #tpu.memory_space<vmem>> -> memref<128x16xf32, #tpu.memory_space<vmem>>
      %dma_start3A_70 = arith.constant 0 : i32
      %dma_start3A_71 = tpu.memref_slice %arg10[%dma_start3A_66, %dma_start3A_70] : memref<16x128xi32, #tpu.memory_space<vmem>> -> memref<1x128xi32, #tpu.memory_space<vmem>>
      %dma_start3A_72 = tpu.memref_squeeze %dma_start3A_71 : memref<1x128xi32, #tpu.memory_space<vmem>> -> memref<128xi32, #tpu.memory_space<vmem>>
      %dma_start3A_73 = arith.constant 0 : i32
      %dma_start3A_74 = arith.constant 0 : i32
      %dma_start3A_75 = tpu.memref_slice %arg5[%dma_start3A_73, %dma_start3A_74] : memref<32768x16xf32, #tpu.memory_space<hbm>> -> memref<32768x16xf32, #tpu.memory_space<hbm>>
      tpu.enqueue_indirect_dma source(%dma_start3A_75 : memref<32768x16xf32, #tpu.memory_space<hbm>>) target(%dma_start3A_69 : memref<128x16xf32, #tpu.memory_space<vmem>>) offsets(%dma_start3A_72 : memref<128xi32, #tpu.memory_space<vmem>>) semaphore(%arg13 : memref<!tpu.dma_semaphore, #tpu.memory_space<semaphore_mem>>)
      %dma_start3A_76 = arith.constant 2 : i32
      %dma_start3A_77 = arith.constant 256 : i32
      %dma_start3A_78 = arith.constant 0 : i32
      %dma_start3A_79 = tpu.memref_slice %arg11[%dma_start3A_77, %dma_start3A_78] : memref<2048x16xf32, #tpu.memory_space<vmem>> -> memref<128x16xf32, #tpu.memory_space<vmem>>
      %dma_start3A_80 = arith.constant 0 : i32
      %dma_start3A_81 = tpu.memref_slice %arg10[%dma_start3A_76, %dma_start3A_80] : memref<16x128xi32, #tpu.memory_space<vmem>> -> memref<1x128xi32, #tpu.memory_space<vmem>>
      %dma_start3A_82 = tpu.memref_squeeze %dma_start3A_81 : memref<1x128xi32, #tpu.memory_space<vmem>> -> memref<128xi32, #tpu.memory_space<vmem>>
      %dma_start3A_83 = arith.constant 0 : i32
      %dma_start3A_84 = arith.constant 0 : i32
      %dma_start3A_85 = tpu.memref_slice %arg5[%dma_start3A_83, %dma_start3A_84] : memref<32768x16xf32, #tpu.memory_space<hbm>> -> memref<32768x16xf32, #tpu.memory_space<hbm>>
      tpu.enqueue_indirect_dma source(%dma_start3A_85 : memref<32768x16xf32, #tpu.memory_space<hbm>>) target(%dma_start3A_79 : memref<128x16xf32, #tpu.memory_space<vmem>>) offsets(%dma_start3A_82 : memref<128xi32, #tpu.memory_space<vmem>>) semaphore(%arg13 : memref<!tpu.dma_semaphore, #tpu.memory_space<semaphore_mem>>)
      %dma_start3A_86 = arith.constant 3 : i32
      %dma_start3A_87 = arith.constant 384 : i32
      %dma_start3A_88 = arith.constant 0 : i32
      %dma_start3A_89 = tpu.memref_slice %arg11[%dma_start3A_87, %dma_start3A_88] : memref<2048x16xf32, #tpu.memory_space<vmem>> -> memref<128x16xf32, #tpu.memory_space<vmem>>
      %dma_start3A_90 = arith.constant 0 : i32
      %dma_start3A_91 = tpu.memref_slice %arg10[%dma_start3A_86, %dma_start3A_90] : memref<16x128xi32, #tpu.memory_space<vmem>> -> memref<1x128xi32, #tpu.memory_space<vmem>>
      %dma_start3A_92 = tpu.memref_squeeze %dma_start3A_91 : memref<1x128xi32, #tpu.memory_space<vmem>> -> memref<128xi32, #tpu.memory_space<vmem>>
      %dma_start3A_93 = arith.constant 0 : i32
      %dma_start3A_94 = arith.constant 0 : i32
      %dma_start3A_95 = tpu.memref_slice %arg5[%dma_start3A_93, %dma_start3A_94] : memref<32768x16xf32, #tpu.memory_space<hbm>> -> memref<32768x16xf32, #tpu.memory_space<hbm>>
      tpu.enqueue_indirect_dma source(%dma_start3A_95 : memref<32768x16xf32, #tpu.memory_space<hbm>>) target(%dma_start3A_89 : memref<128x16xf32, #tpu.memory_space<vmem>>) offsets(%dma_start3A_92 : memref<128xi32, #tpu.memory_space<vmem>>) semaphore(%arg13 : memref<!tpu.dma_semaphore, #tpu.memory_space<semaphore_mem>>)
      %dma_start3A_96 = arith.constant 4 : i32
      %dma_start3A_97 = arith.constant 512 : i32
      %dma_start3A_98 = arith.constant 0 : i32
      %dma_start3A_99 = tpu.memref_slice %arg11[%dma_start3A_97, %dma_start3A_98] : memref<2048x16xf32, #tpu.memory_space<vmem>> -> memref<128x16xf32, #tpu.memory_space<vmem>>
      %dma_start3A_100 = arith.constant 0 : i32
      %dma_start3A_101 = tpu.memref_slice %arg10[%dma_start3A_96, %dma_start3A_100] : memref<16x128xi32, #tpu.memory_space<vmem>> -> memref<1x128xi32, #tpu.memory_space<vmem>>
      %dma_start3A_102 = tpu.memref_squeeze %dma_start3A_101 : memref<1x128xi32, #tpu.memory_space<vmem>> -> memref<128xi32, #tpu.memory_space<vmem>>
      %dma_start3A_103 = arith.constant 0 : i32
      %dma_start3A_104 = arith.constant 0 : i32
      %dma_start3A_105 = tpu.memref_slice %arg5[%dma_start3A_103, %dma_start3A_104] : memref<32768x16xf32, #tpu.memory_space<hbm>> -> memref<32768x16xf32, #tpu.memory_space<hbm>>
      tpu.enqueue_indirect_dma source(%dma_start3A_105 : memref<32768x16xf32, #tpu.memory_space<hbm>>) target(%dma_start3A_99 : memref<128x16xf32, #tpu.memory_space<vmem>>) offsets(%dma_start3A_102 : memref<128xi32, #tpu.memory_space<vmem>>) semaphore(%arg13 : memref<!tpu.dma_semaphore, #tpu.memory_space<semaphore_mem>>)
      %dma_start3A_106 = arith.constant 5 : i32
      %dma_start3A_107 = arith.constant 640 : i32
      %dma_start3A_108 = arith.constant 0 : i32
      %dma_start3A_109 = tpu.memref_slice %arg11[%dma_start3A_107, %dma_start3A_108] : memref<2048x16xf32, #tpu.memory_space<vmem>> -> memref<128x16xf32, #tpu.memory_space<vmem>>
      %dma_start3A_110 = arith.constant 0 : i32
      %dma_start3A_111 = tpu.memref_slice %arg10[%dma_start3A_106, %dma_start3A_110] : memref<16x128xi32, #tpu.memory_space<vmem>> -> memref<1x128xi32, #tpu.memory_space<vmem>>
      %dma_start3A_112 = tpu.memref_squeeze %dma_start3A_111 : memref<1x128xi32, #tpu.memory_space<vmem>> -> memref<128xi32, #tpu.memory_space<vmem>>
      %dma_start3A_113 = arith.constant 0 : i32
      %dma_start3A_114 = arith.constant 0 : i32
      %dma_start3A_115 = tpu.memref_slice %arg5[%dma_start3A_113, %dma_start3A_114] : memref<32768x16xf32, #tpu.memory_space<hbm>> -> memref<32768x16xf32, #tpu.memory_space<hbm>>
      tpu.enqueue_indirect_dma source(%dma_start3A_115 : memref<32768x16xf32, #tpu.memory_space<hbm>>) target(%dma_start3A_109 : memref<128x16xf32, #tpu.memory_space<vmem>>) offsets(%dma_start3A_112 : memref<128xi32, #tpu.memory_space<vmem>>) semaphore(%arg13 : memref<!tpu.dma_semaphore, #tpu.memory_space<semaphore_mem>>)
      %dma_start3A_116 = arith.constant 6 : i32
      %dma_start3A_117 = arith.constant 768 : i32
      %dma_start3A_118 = arith.constant 0 : i32
      %dma_start3A_119 = tpu.memref_slice %arg11[%dma_start3A_117, %dma_start3A_118] : memref<2048x16xf32, #tpu.memory_space<vmem>> -> memref<128x16xf32, #tpu.memory_space<vmem>>
      %dma_start3A_120 = arith.constant 0 : i32
      %dma_start3A_121 = tpu.memref_slice %arg10[%dma_start3A_116, %dma_start3A_120] : memref<16x128xi32, #tpu.memory_space<vmem>> -> memref<1x128xi32, #tpu.memory_space<vmem>>
      %dma_start3A_122 = tpu.memref_squeeze %dma_start3A_121 : memref<1x128xi32, #tpu.memory_space<vmem>> -> memref<128xi32, #tpu.memory_space<vmem>>
      %dma_start3A_123 = arith.constant 0 : i32
      %dma_start3A_124 = arith.constant 0 : i32
      %dma_start3A_125 = tpu.memref_slice %arg5[%dma_start3A_123, %dma_start3A_124] : memref<32768x16xf32, #tpu.memory_space<hbm>> -> memref<32768x16xf32, #tpu.memory_space<hbm>>
      tpu.enqueue_indirect_dma source(%dma_start3A_125 : memref<32768x16xf32, #tpu.memory_space<hbm>>) target(%dma_start3A_119 : memref<128x16xf32, #tpu.memory_space<vmem>>) offsets(%dma_start3A_122 : memref<128xi32, #tpu.memory_space<vmem>>) semaphore(%arg13 : memref<!tpu.dma_semaphore, #tpu.memory_space<semaphore_mem>>)
      %dma_start3A_126 = arith.constant 7 : i32
      %dma_start3A_127 = arith.constant 896 : i32
      %dma_start3A_128 = arith.constant 0 : i32
      %dma_start3A_129 = tpu.memref_slice %arg11[%dma_start3A_127, %dma_start3A_128] : memref<2048x16xf32, #tpu.memory_space<vmem>> -> memref<128x16xf32, #tpu.memory_space<vmem>>
      %dma_start3A_130 = arith.constant 0 : i32
      %dma_start3A_131 = tpu.memref_slice %arg10[%dma_start3A_126, %dma_start3A_130] : memref<16x128xi32, #tpu.memory_space<vmem>> -> memref<1x128xi32, #tpu.memory_space<vmem>>
      %dma_start3A_132 = tpu.memref_squeeze %dma_start3A_131 : memref<1x128xi32, #tpu.memory_space<vmem>> -> memref<128xi32, #tpu.memory_space<vmem>>
      %dma_start3A_133 = arith.constant 0 : i32
      %dma_start3A_134 = arith.constant 0 : i32
      %dma_start3A_135 = tpu.memref_slice %arg5[%dma_start3A_133, %dma_start3A_134] : memref<32768x16xf32, #tpu.memory_space<hbm>> -> memref<32768x16xf32, #tpu.memory_space<hbm>>
      tpu.enqueue_indirect_dma source(%dma_start3A_135 : memref<32768x16xf32, #tpu.memory_space<hbm>>) target(%dma_start3A_129 : memref<128x16xf32, #tpu.memory_space<vmem>>) offsets(%dma_start3A_132 : memref<128xi32, #tpu.memory_space<vmem>>) semaphore(%arg13 : memref<!tpu.dma_semaphore, #tpu.memory_space<semaphore_mem>>)
      %dma_start3A_136 = arith.constant 8 : i32
      %dma_start3A_137 = arith.constant 1024 : i32
      %dma_start3A_138 = arith.constant 0 : i32
      %dma_start3A_139 = tpu.memref_slice %arg11[%dma_start3A_137, %dma_start3A_138] : memref<2048x16xf32, #tpu.memory_space<vmem>> -> memref<128x16xf32, #tpu.memory_space<vmem>>
      %dma_start3A_140 = arith.constant 0 : i32
      %dma_start3A_141 = tpu.memref_slice %arg10[%dma_start3A_136, %dma_start3A_140] : memref<16x128xi32, #tpu.memory_space<vmem>> -> memref<1x128xi32, #tpu.memory_space<vmem>>
      %dma_start3A_142 = tpu.memref_squeeze %dma_start3A_141 : memref<1x128xi32, #tpu.memory_space<vmem>> -> memref<128xi32, #tpu.memory_space<vmem>>
      %dma_start3A_143 = arith.constant 0 : i32
      %dma_start3A_144 = arith.constant 0 : i32
      %dma_start3A_145 = tpu.memref_slice %arg5[%dma_start3A_143, %dma_start3A_144] : memref<32768x16xf32, #tpu.memory_space<hbm>> -> memref<32768x16xf32, #tpu.memory_space<hbm>>
      tpu.enqueue_indirect_dma source(%dma_start3A_145 : memref<32768x16xf32, #tpu.memory_space<hbm>>) target(%dma_start3A_139 : memref<128x16xf32, #tpu.memory_space<vmem>>) offsets(%dma_start3A_142 : memref<128xi32, #tpu.memory_space<vmem>>) semaphore(%arg13 : memref<!tpu.dma_semaphore, #tpu.memory_space<semaphore_mem>>)
      %dma_start3A_146 = arith.constant 9 : i32
      %dma_start3A_147 = arith.constant 1152 : i32
      %dma_start3A_148 = arith.constant 0 : i32
      %dma_start3A_149 = tpu.memref_slice %arg11[%dma_start3A_147, %dma_start3A_148] : memref<2048x16xf32, #tpu.memory_space<vmem>> -> memref<128x16xf32, #tpu.memory_space<vmem>>
      %dma_start3A_150 = arith.constant 0 : i32
      %dma_start3A_151 = tpu.memref_slice %arg10[%dma_start3A_146, %dma_start3A_150] : memref<16x128xi32, #tpu.memory_space<vmem>> -> memref<1x128xi32, #tpu.memory_space<vmem>>
      %dma_start3A_152 = tpu.memref_squeeze %dma_start3A_151 : memref<1x128xi32, #tpu.memory_space<vmem>> -> memref<128xi32, #tpu.memory_space<vmem>>
      %dma_start3A_153 = arith.constant 0 : i32
      %dma_start3A_154 = arith.constant 0 : i32
      %dma_start3A_155 = tpu.memref_slice %arg5[%dma_start3A_153, %dma_start3A_154] : memref<32768x16xf32, #tpu.memory_space<hbm>> -> memref<32768x16xf32, #tpu.memory_space<hbm>>
      tpu.enqueue_indirect_dma source(%dma_start3A_155 : memref<32768x16xf32, #tpu.memory_space<hbm>>) target(%dma_start3A_149 : memref<128x16xf32, #tpu.memory_space<vmem>>) offsets(%dma_start3A_152 : memref<128xi32, #tpu.memory_space<vmem>>) semaphore(%arg13 : memref<!tpu.dma_semaphore, #tpu.memory_space<semaphore_mem>>)
      %dma_start3A_156 = arith.constant 10 : i32
      %dma_start3A_157 = arith.constant 1280 : i32
      %dma_start3A_158 = arith.constant 0 : i32
      %dma_start3A_159 = tpu.memref_slice %arg11[%dma_start3A_157, %dma_start3A_158] : memref<2048x16xf32, #tpu.memory_space<vmem>> -> memref<128x16xf32, #tpu.memory_space<vmem>>
      %dma_start3A_160 = arith.constant 0 : i32
      %dma_start3A_161 = tpu.memref_slice %arg10[%dma_start3A_156, %dma_start3A_160] : memref<16x128xi32, #tpu.memory_space<vmem>> -> memref<1x128xi32, #tpu.memory_space<vmem>>
      %dma_start3A_162 = tpu.memref_squeeze %dma_start3A_161 : memref<1x128xi32, #tpu.memory_space<vmem>> -> memref<128xi32, #tpu.memory_space<vmem>>
      %dma_start3A_163 = arith.constant 0 : i32
      %dma_start3A_164 = arith.constant 0 : i32
      %dma_start3A_165 = tpu.memref_slice %arg5[%dma_start3A_163, %dma_start3A_164] : memref<32768x16xf32, #tpu.memory_space<hbm>> -> memref<32768x16xf32, #tpu.memory_space<hbm>>
      tpu.enqueue_indirect_dma source(%dma_start3A_165 : memref<32768x16xf32, #tpu.memory_space<hbm>>) target(%dma_start3A_159 : memref<128x16xf32, #tpu.memory_space<vmem>>) offsets(%dma_start3A_162 : memref<128xi32, #tpu.memory_space<vmem>>) semaphore(%arg13 : memref<!tpu.dma_semaphore, #tpu.memory_space<semaphore_mem>>)
      %dma_start3A_166 = arith.constant 11 : i32
      %dma_start3A_167 = arith.constant 1408 : i32
      %dma_start3A_168 = arith.constant 0 : i32
      %dma_start3A_169 = tpu.memref_slice %arg11[%dma_start3A_167, %dma_start3A_168] : memref<2048x16xf32, #tpu.memory_space<vmem>> -> memref<128x16xf32, #tpu.memory_space<vmem>>
      %dma_start3A_170 = arith.constant 0 : i32
      %dma_start3A_171 = tpu.memref_slice %arg10[%dma_start3A_166, %dma_start3A_170] : memref<16x128xi32, #tpu.memory_space<vmem>> -> memref<1x128xi32, #tpu.memory_space<vmem>>
      %dma_start3A_172 = tpu.memref_squeeze %dma_start3A_171 : memref<1x128xi32, #tpu.memory_space<vmem>> -> memref<128xi32, #tpu.memory_space<vmem>>
      %dma_start3A_173 = arith.constant 0 : i32
      %dma_start3A_174 = arith.constant 0 : i32
      %dma_start3A_175 = tpu.memref_slice %arg5[%dma_start3A_173, %dma_start3A_174] : memref<32768x16xf32, #tpu.memory_space<hbm>> -> memref<32768x16xf32, #tpu.memory_space<hbm>>
      tpu.enqueue_indirect_dma source(%dma_start3A_175 : memref<32768x16xf32, #tpu.memory_space<hbm>>) target(%dma_start3A_169 : memref<128x16xf32, #tpu.memory_space<vmem>>) offsets(%dma_start3A_172 : memref<128xi32, #tpu.memory_space<vmem>>) semaphore(%arg13 : memref<!tpu.dma_semaphore, #tpu.memory_space<semaphore_mem>>)
      %dma_start3A_176 = arith.constant 12 : i32
      %dma_start3A_177 = arith.constant 1536 : i32
      %dma_start3A_178 = arith.constant 0 : i32
      %dma_start3A_179 = tpu.memref_slice %arg11[%dma_start3A_177, %dma_start3A_178] : memref<2048x16xf32, #tpu.memory_space<vmem>> -> memref<128x16xf32, #tpu.memory_space<vmem>>
      %dma_start3A_180 = arith.constant 0 : i32
      %dma_start3A_181 = tpu.memref_slice %arg10[%dma_start3A_176, %dma_start3A_180] : memref<16x128xi32, #tpu.memory_space<vmem>> -> memref<1x128xi32, #tpu.memory_space<vmem>>
      %dma_start3A_182 = tpu.memref_squeeze %dma_start3A_181 : memref<1x128xi32, #tpu.memory_space<vmem>> -> memref<128xi32, #tpu.memory_space<vmem>>
      %dma_start3A_183 = arith.constant 0 : i32
      %dma_start3A_184 = arith.constant 0 : i32
      %dma_start3A_185 = tpu.memref_slice %arg5[%dma_start3A_183, %dma_start3A_184] : memref<32768x16xf32, #tpu.memory_space<hbm>> -> memref<32768x16xf32, #tpu.memory_space<hbm>>
      tpu.enqueue_indirect_dma source(%dma_start3A_185 : memref<32768x16xf32, #tpu.memory_space<hbm>>) target(%dma_start3A_179 : memref<128x16xf32, #tpu.memory_space<vmem>>) offsets(%dma_start3A_182 : memref<128xi32, #tpu.memory_space<vmem>>) semaphore(%arg13 : memref<!tpu.dma_semaphore, #tpu.memory_space<semaphore_mem>>)
      %dma_start3A_186 = arith.constant 13 : i32
      %dma_start3A_187 = arith.constant 1664 : i32
      %dma_start3A_188 = arith.constant 0 : i32
      %dma_start3A_189 = tpu.memref_slice %arg11[%dma_start3A_187, %dma_start3A_188] : memref<2048x16xf32, #tpu.memory_space<vmem>> -> memref<128x16xf32, #tpu.memory_space<vmem>>
      %dma_start3A_190 = arith.constant 0 : i32
      %dma_start3A_191 = tpu.memref_slice %arg10[%dma_start3A_186, %dma_start3A_190] : memref<16x128xi32, #tpu.memory_space<vmem>> -> memref<1x128xi32, #tpu.memory_space<vmem>>
      %dma_start3A_192 = tpu.memref_squeeze %dma_start3A_191 : memref<1x128xi32, #tpu.memory_space<vmem>> -> memref<128xi32, #tpu.memory_space<vmem>>
      %dma_start3A_193 = arith.constant 0 : i32
      %dma_start3A_194 = arith.constant 0 : i32
      %dma_start3A_195 = tpu.memref_slice %arg5[%dma_start3A_193, %dma_start3A_194] : memref<32768x16xf32, #tpu.memory_space<hbm>> -> memref<32768x16xf32, #tpu.memory_space<hbm>>
      tpu.enqueue_indirect_dma source(%dma_start3A_195 : memref<32768x16xf32, #tpu.memory_space<hbm>>) target(%dma_start3A_189 : memref<128x16xf32, #tpu.memory_space<vmem>>) offsets(%dma_start3A_192 : memref<128xi32, #tpu.memory_space<vmem>>) semaphore(%arg13 : memref<!tpu.dma_semaphore, #tpu.memory_space<semaphore_mem>>)
      %dma_start3A_196 = arith.constant 14 : i32
      %dma_start3A_197 = arith.constant 1792 : i32
      %dma_start3A_198 = arith.constant 0 : i32
      %dma_start3A_199 = tpu.memref_slice %arg11[%dma_start3A_197, %dma_start3A_198] : memref<2048x16xf32, #tpu.memory_space<vmem>> -> memref<128x16xf32, #tpu.memory_space<vmem>>
      %dma_start3A_200 = arith.constant 0 : i32
      %dma_start3A_201 = tpu.memref_slice %arg10[%dma_start3A_196, %dma_start3A_200] : memref<16x128xi32, #tpu.memory_space<vmem>> -> memref<1x128xi32, #tpu.memory_space<vmem>>
      %dma_start3A_202 = tpu.memref_squeeze %dma_start3A_201 : memref<1x128xi32, #tpu.memory_space<vmem>> -> memref<128xi32, #tpu.memory_space<vmem>>
      %dma_start3A_203 = arith.constant 0 : i32
      %dma_start3A_204 = arith.constant 0 : i32
      %dma_start3A_205 = tpu.memref_slice %arg5[%dma_start3A_203, %dma_start3A_204] : memref<32768x16xf32, #tpu.memory_space<hbm>> -> memref<32768x16xf32, #tpu.memory_space<hbm>>
      tpu.enqueue_indirect_dma source(%dma_start3A_205 : memref<32768x16xf32, #tpu.memory_space<hbm>>) target(%dma_start3A_199 : memref<128x16xf32, #tpu.memory_space<vmem>>) offsets(%dma_start3A_202 : memref<128xi32, #tpu.memory_space<vmem>>) semaphore(%arg13 : memref<!tpu.dma_semaphore, #tpu.memory_space<semaphore_mem>>)
      %dma_start3A_206 = arith.constant 15 : i32
      %dma_start3A_207 = arith.constant 1920 : i32
      %dma_start3A_208 = arith.constant 0 : i32
      %dma_start3A_209 = tpu.memref_slice %arg11[%dma_start3A_207, %dma_start3A_208] : memref<2048x16xf32, #tpu.memory_space<vmem>> -> memref<128x16xf32, #tpu.memory_space<vmem>>
      %dma_start3A_210 = arith.constant 0 : i32
      %dma_start3A_211 = tpu.memref_slice %arg10[%dma_start3A_206, %dma_start3A_210] : memref<16x128xi32, #tpu.memory_space<vmem>> -> memref<1x128xi32, #tpu.memory_space<vmem>>
      %dma_start3A_212 = tpu.memref_squeeze %dma_start3A_211 : memref<1x128xi32, #tpu.memory_space<vmem>> -> memref<128xi32, #tpu.memory_space<vmem>>
      %dma_start3A_213 = arith.constant 0 : i32
      %dma_start3A_214 = arith.constant 0 : i32
      %dma_start3A_215 = tpu.memref_slice %arg5[%dma_start3A_213, %dma_start3A_214] : memref<32768x16xf32, #tpu.memory_space<hbm>> -> memref<32768x16xf32, #tpu.memory_space<hbm>>
      tpu.enqueue_indirect_dma source(%dma_start3A_215 : memref<32768x16xf32, #tpu.memory_space<hbm>>) target(%dma_start3A_209 : memref<128x16xf32, #tpu.memory_space<vmem>>) offsets(%dma_start3A_212 : memref<128xi32, #tpu.memory_space<vmem>>) semaphore(%arg13 : memref<!tpu.dma_semaphore, #tpu.memory_space<semaphore_mem>>)
      %dma_wait3A = arith.constant 0 : i32
      %dma_wait3A_216 = arith.constant 0 : i32
      %dma_wait3A_217 = arith.constant 0 : i32
      %dma_wait3A_218 = tpu.memref_slice %arg11[%dma_wait3A_216, %dma_wait3A_217] : memref<2048x16xf32, #tpu.memory_space<vmem>> -> memref<128x16xf32, #tpu.memory_space<vmem>>
      %dma_wait3A_219 = arith.constant 0 : i32
      %dma_wait3A_220 = tpu.memref_slice %arg10[%dma_wait3A, %dma_wait3A_219] : memref<16x128xi32, #tpu.memory_space<vmem>> -> memref<1x128xi32, #tpu.memory_space<vmem>>
      %dma_wait3A_221 = tpu.memref_squeeze %dma_wait3A_220 : memref<1x128xi32, #tpu.memory_space<vmem>> -> memref<128xi32, #tpu.memory_space<vmem>>
      %dma_wait3A_222 = arith.constant 0 : i32
      %dma_wait3A_223 = arith.constant 0 : i32
      %dma_wait3A_224 = tpu.memref_slice %arg5[%dma_wait3A_222, %dma_wait3A_223] : memref<32768x16xf32, #tpu.memory_space<hbm>> -> memref<32768x16xf32, #tpu.memory_space<hbm>>
      tpu.wait_indirect_dma semaphore(%arg13 : memref<!tpu.dma_semaphore, #tpu.memory_space<semaphore_mem>>) src(%dma_wait3A_224 : memref<32768x16xf32, #tpu.memory_space<hbm>>) dst(%dma_wait3A_218 : memref<128x16xf32, #tpu.memory_space<vmem>>)
      %dma_wait3A_225 = arith.constant 1 : i32
      %dma_wait3A_226 = arith.constant 128 : i32
      %dma_wait3A_227 = arith.constant 0 : i32
      %dma_wait3A_228 = tpu.memref_slice %arg11[%dma_wait3A_226, %dma_wait3A_227] : memref<2048x16xf32, #tpu.memory_space<vmem>> -> memref<128x16xf32, #tpu.memory_space<vmem>>
      %dma_wait3A_229 = arith.constant 0 : i32
      %dma_wait3A_230 = tpu.memref_slice %arg10[%dma_wait3A_225, %dma_wait3A_229] : memref<16x128xi32, #tpu.memory_space<vmem>> -> memref<1x128xi32, #tpu.memory_space<vmem>>
      %dma_wait3A_231 = tpu.memref_squeeze %dma_wait3A_230 : memref<1x128xi32, #tpu.memory_space<vmem>> -> memref<128xi32, #tpu.memory_space<vmem>>
      %dma_wait3A_232 = arith.constant 0 : i32
      %dma_wait3A_233 = arith.constant 0 : i32
      %dma_wait3A_234 = tpu.memref_slice %arg5[%dma_wait3A_232, %dma_wait3A_233] : memref<32768x16xf32, #tpu.memory_space<hbm>> -> memref<32768x16xf32, #tpu.memory_space<hbm>>
      tpu.wait_indirect_dma semaphore(%arg13 : memref<!tpu.dma_semaphore, #tpu.memory_space<semaphore_mem>>) src(%dma_wait3A_234 : memref<32768x16xf32, #tpu.memory_space<hbm>>) dst(%dma_wait3A_228 : memref<128x16xf32, #tpu.memory_space<vmem>>)
      %dma_wait3A_235 = arith.constant 2 : i32
      %dma_wait3A_236 = arith.constant 256 : i32
      %dma_wait3A_237 = arith.constant 0 : i32
      %dma_wait3A_238 = tpu.memref_slice %arg11[%dma_wait3A_236, %dma_wait3A_237] : memref<2048x16xf32, #tpu.memory_space<vmem>> -> memref<128x16xf32, #tpu.memory_space<vmem>>
      %dma_wait3A_239 = arith.constant 0 : i32
      %dma_wait3A_240 = tpu.memref_slice %arg10[%dma_wait3A_235, %dma_wait3A_239] : memref<16x128xi32, #tpu.memory_space<vmem>> -> memref<1x128xi32, #tpu.memory_space<vmem>>
      %dma_wait3A_241 = tpu.memref_squeeze %dma_wait3A_240 : memref<1x128xi32, #tpu.memory_space<vmem>> -> memref<128xi32, #tpu.memory_space<vmem>>
      %dma_wait3A_242 = arith.constant 0 : i32
      %dma_wait3A_243 = arith.constant 0 : i32
      %dma_wait3A_244 = tpu.memref_slice %arg5[%dma_wait3A_242, %dma_wait3A_243] : memref<32768x16xf32, #tpu.memory_space<hbm>> -> memref<32768x16xf32, #tpu.memory_space<hbm>>
      tpu.wait_indirect_dma semaphore(%arg13 : memref<!tpu.dma_semaphore, #tpu.memory_space<semaphore_mem>>) src(%dma_wait3A_244 : memref<32768x16xf32, #tpu.memory_space<hbm>>) dst(%dma_wait3A_238 : memref<128x16xf32, #tpu.memory_space<vmem>>)
      %dma_wait3A_245 = arith.constant 3 : i32
      %dma_wait3A_246 = arith.constant 384 : i32
      %dma_wait3A_247 = arith.constant 0 : i32
      %dma_wait3A_248 = tpu.memref_slice %arg11[%dma_wait3A_246, %dma_wait3A_247] : memref<2048x16xf32, #tpu.memory_space<vmem>> -> memref<128x16xf32, #tpu.memory_space<vmem>>
      %dma_wait3A_249 = arith.constant 0 : i32
      %dma_wait3A_250 = tpu.memref_slice %arg10[%dma_wait3A_245, %dma_wait3A_249] : memref<16x128xi32, #tpu.memory_space<vmem>> -> memref<1x128xi32, #tpu.memory_space<vmem>>
      %dma_wait3A_251 = tpu.memref_squeeze %dma_wait3A_250 : memref<1x128xi32, #tpu.memory_space<vmem>> -> memref<128xi32, #tpu.memory_space<vmem>>
      %dma_wait3A_252 = arith.constant 0 : i32
      %dma_wait3A_253 = arith.constant 0 : i32
      %dma_wait3A_254 = tpu.memref_slice %arg5[%dma_wait3A_252, %dma_wait3A_253] : memref<32768x16xf32, #tpu.memory_space<hbm>> -> memref<32768x16xf32, #tpu.memory_space<hbm>>
      tpu.wait_indirect_dma semaphore(%arg13 : memref<!tpu.dma_semaphore, #tpu.memory_space<semaphore_mem>>) src(%dma_wait3A_254 : memref<32768x16xf32, #tpu.memory_space<hbm>>) dst(%dma_wait3A_248 : memref<128x16xf32, #tpu.memory_space<vmem>>)
      %dma_wait3A_255 = arith.constant 4 : i32
      %dma_wait3A_256 = arith.constant 512 : i32
      %dma_wait3A_257 = arith.constant 0 : i32
      %dma_wait3A_258 = tpu.memref_slice %arg11[%dma_wait3A_256, %dma_wait3A_257] : memref<2048x16xf32, #tpu.memory_space<vmem>> -> memref<128x16xf32, #tpu.memory_space<vmem>>
      %dma_wait3A_259 = arith.constant 0 : i32
      %dma_wait3A_260 = tpu.memref_slice %arg10[%dma_wait3A_255, %dma_wait3A_259] : memref<16x128xi32, #tpu.memory_space<vmem>> -> memref<1x128xi32, #tpu.memory_space<vmem>>
      %dma_wait3A_261 = tpu.memref_squeeze %dma_wait3A_260 : memref<1x128xi32, #tpu.memory_space<vmem>> -> memref<128xi32, #tpu.memory_space<vmem>>
      %dma_wait3A_262 = arith.constant 0 : i32
      %dma_wait3A_263 = arith.constant 0 : i32
      %dma_wait3A_264 = tpu.memref_slice %arg5[%dma_wait3A_262, %dma_wait3A_263] : memref<32768x16xf32, #tpu.memory_space<hbm>> -> memref<32768x16xf32, #tpu.memory_space<hbm>>
      tpu.wait_indirect_dma semaphore(%arg13 : memref<!tpu.dma_semaphore, #tpu.memory_space<semaphore_mem>>) src(%dma_wait3A_264 : memref<32768x16xf32, #tpu.memory_space<hbm>>) dst(%dma_wait3A_258 : memref<128x16xf32, #tpu.memory_space<vmem>>)
      %dma_wait3A_265 = arith.constant 5 : i32
      %dma_wait3A_266 = arith.constant 640 : i32
      %dma_wait3A_267 = arith.constant 0 : i32
      %dma_wait3A_268 = tpu.memref_slice %arg11[%dma_wait3A_266, %dma_wait3A_267] : memref<2048x16xf32, #tpu.memory_space<vmem>> -> memref<128x16xf32, #tpu.memory_space<vmem>>
      %dma_wait3A_269 = arith.constant 0 : i32
      %dma_wait3A_270 = tpu.memref_slice %arg10[%dma_wait3A_265, %dma_wait3A_269] : memref<16x128xi32, #tpu.memory_space<vmem>> -> memref<1x128xi32, #tpu.memory_space<vmem>>
      %dma_wait3A_271 = tpu.memref_squeeze %dma_wait3A_270 : memref<1x128xi32, #tpu.memory_space<vmem>> -> memref<128xi32, #tpu.memory_space<vmem>>
      %dma_wait3A_272 = arith.constant 0 : i32
      %dma_wait3A_273 = arith.constant 0 : i32
      %dma_wait3A_274 = tpu.memref_slice %arg5[%dma_wait3A_272, %dma_wait3A_273] : memref<32768x16xf32, #tpu.memory_space<hbm>> -> memref<32768x16xf32, #tpu.memory_space<hbm>>
      tpu.wait_indirect_dma semaphore(%arg13 : memref<!tpu.dma_semaphore, #tpu.memory_space<semaphore_mem>>) src(%dma_wait3A_274 : memref<32768x16xf32, #tpu.memory_space<hbm>>) dst(%dma_wait3A_268 : memref<128x16xf32, #tpu.memory_space<vmem>>)
      %dma_wait3A_275 = arith.constant 6 : i32
      %dma_wait3A_276 = arith.constant 768 : i32
      %dma_wait3A_277 = arith.constant 0 : i32
      %dma_wait3A_278 = tpu.memref_slice %arg11[%dma_wait3A_276, %dma_wait3A_277] : memref<2048x16xf32, #tpu.memory_space<vmem>> -> memref<128x16xf32, #tpu.memory_space<vmem>>
      %dma_wait3A_279 = arith.constant 0 : i32
      %dma_wait3A_280 = tpu.memref_slice %arg10[%dma_wait3A_275, %dma_wait3A_279] : memref<16x128xi32, #tpu.memory_space<vmem>> -> memref<1x128xi32, #tpu.memory_space<vmem>>
      %dma_wait3A_281 = tpu.memref_squeeze %dma_wait3A_280 : memref<1x128xi32, #tpu.memory_space<vmem>> -> memref<128xi32, #tpu.memory_space<vmem>>
      %dma_wait3A_282 = arith.constant 0 : i32
      %dma_wait3A_283 = arith.constant 0 : i32
      %dma_wait3A_284 = tpu.memref_slice %arg5[%dma_wait3A_282, %dma_wait3A_283] : memref<32768x16xf32, #tpu.memory_space<hbm>> -> memref<32768x16xf32, #tpu.memory_space<hbm>>
      tpu.wait_indirect_dma semaphore(%arg13 : memref<!tpu.dma_semaphore, #tpu.memory_space<semaphore_mem>>) src(%dma_wait3A_284 : memref<32768x16xf32, #tpu.memory_space<hbm>>) dst(%dma_wait3A_278 : memref<128x16xf32, #tpu.memory_space<vmem>>)
      %dma_wait3A_285 = arith.constant 7 : i32
      %dma_wait3A_286 = arith.constant 896 : i32
      %dma_wait3A_287 = arith.constant 0 : i32
      %dma_wait3A_288 = tpu.memref_slice %arg11[%dma_wait3A_286, %dma_wait3A_287] : memref<2048x16xf32, #tpu.memory_space<vmem>> -> memref<128x16xf32, #tpu.memory_space<vmem>>
      %dma_wait3A_289 = arith.constant 0 : i32
      %dma_wait3A_290 = tpu.memref_slice %arg10[%dma_wait3A_285, %dma_wait3A_289] : memref<16x128xi32, #tpu.memory_space<vmem>> -> memref<1x128xi32, #tpu.memory_space<vmem>>
      %dma_wait3A_291 = tpu.memref_squeeze %dma_wait3A_290 : memref<1x128xi32, #tpu.memory_space<vmem>> -> memref<128xi32, #tpu.memory_space<vmem>>
      %dma_wait3A_292 = arith.constant 0 : i32
      %dma_wait3A_293 = arith.constant 0 : i32
      %dma_wait3A_294 = tpu.memref_slice %arg5[%dma_wait3A_292, %dma_wait3A_293] : memref<32768x16xf32, #tpu.memory_space<hbm>> -> memref<32768x16xf32, #tpu.memory_space<hbm>>
      tpu.wait_indirect_dma semaphore(%arg13 : memref<!tpu.dma_semaphore, #tpu.memory_space<semaphore_mem>>) src(%dma_wait3A_294 : memref<32768x16xf32, #tpu.memory_space<hbm>>) dst(%dma_wait3A_288 : memref<128x16xf32, #tpu.memory_space<vmem>>)
      %dma_wait3A_295 = arith.constant 8 : i32
      %dma_wait3A_296 = arith.constant 1024 : i32
      %dma_wait3A_297 = arith.constant 0 : i32
      %dma_wait3A_298 = tpu.memref_slice %arg11[%dma_wait3A_296, %dma_wait3A_297] : memref<2048x16xf32, #tpu.memory_space<vmem>> -> memref<128x16xf32, #tpu.memory_space<vmem>>
      %dma_wait3A_299 = arith.constant 0 : i32
      %dma_wait3A_300 = tpu.memref_slice %arg10[%dma_wait3A_295, %dma_wait3A_299] : memref<16x128xi32, #tpu.memory_space<vmem>> -> memref<1x128xi32, #tpu.memory_space<vmem>>
      %dma_wait3A_301 = tpu.memref_squeeze %dma_wait3A_300 : memref<1x128xi32, #tpu.memory_space<vmem>> -> memref<128xi32, #tpu.memory_space<vmem>>
      %dma_wait3A_302 = arith.constant 0 : i32
      %dma_wait3A_303 = arith.constant 0 : i32
      %dma_wait3A_304 = tpu.memref_slice %arg5[%dma_wait3A_302, %dma_wait3A_303] : memref<32768x16xf32, #tpu.memory_space<hbm>> -> memref<32768x16xf32, #tpu.memory_space<hbm>>
      tpu.wait_indirect_dma semaphore(%arg13 : memref<!tpu.dma_semaphore, #tpu.memory_space<semaphore_mem>>) src(%dma_wait3A_304 : memref<32768x16xf32, #tpu.memory_space<hbm>>) dst(%dma_wait3A_298 : memref<128x16xf32, #tpu.memory_space<vmem>>)
      %dma_wait3A_305 = arith.constant 9 : i32
      %dma_wait3A_306 = arith.constant 1152 : i32
      %dma_wait3A_307 = arith.constant 0 : i32
      %dma_wait3A_308 = tpu.memref_slice %arg11[%dma_wait3A_306, %dma_wait3A_307] : memref<2048x16xf32, #tpu.memory_space<vmem>> -> memref<128x16xf32, #tpu.memory_space<vmem>>
      %dma_wait3A_309 = arith.constant 0 : i32
      %dma_wait3A_310 = tpu.memref_slice %arg10[%dma_wait3A_305, %dma_wait3A_309] : memref<16x128xi32, #tpu.memory_space<vmem>> -> memref<1x128xi32, #tpu.memory_space<vmem>>
      %dma_wait3A_311 = tpu.memref_squeeze %dma_wait3A_310 : memref<1x128xi32, #tpu.memory_space<vmem>> -> memref<128xi32, #tpu.memory_space<vmem>>
      %dma_wait3A_312 = arith.constant 0 : i32
      %dma_wait3A_313 = arith.constant 0 : i32
      %dma_wait3A_314 = tpu.memref_slice %arg5[%dma_wait3A_312, %dma_wait3A_313] : memref<32768x16xf32, #tpu.memory_space<hbm>> -> memref<32768x16xf32, #tpu.memory_space<hbm>>
      tpu.wait_indirect_dma semaphore(%arg13 : memref<!tpu.dma_semaphore, #tpu.memory_space<semaphore_mem>>) src(%dma_wait3A_314 : memref<32768x16xf32, #tpu.memory_space<hbm>>) dst(%dma_wait3A_308 : memref<128x16xf32, #tpu.memory_space<vmem>>)
      %dma_wait3A_315 = arith.constant 10 : i32
      %dma_wait3A_316 = arith.constant 1280 : i32
      %dma_wait3A_317 = arith.constant 0 : i32
      %dma_wait3A_318 = tpu.memref_slice %arg11[%dma_wait3A_316, %dma_wait3A_317] : memref<2048x16xf32, #tpu.memory_space<vmem>> -> memref<128x16xf32, #tpu.memory_space<vmem>>
      %dma_wait3A_319 = arith.constant 0 : i32
      %dma_wait3A_320 = tpu.memref_slice %arg10[%dma_wait3A_315, %dma_wait3A_319] : memref<16x128xi32, #tpu.memory_space<vmem>> -> memref<1x128xi32, #tpu.memory_space<vmem>>
      %dma_wait3A_321 = tpu.memref_squeeze %dma_wait3A_320 : memref<1x128xi32, #tpu.memory_space<vmem>> -> memref<128xi32, #tpu.memory_space<vmem>>
      %dma_wait3A_322 = arith.constant 0 : i32
      %dma_wait3A_323 = arith.constant 0 : i32
      %dma_wait3A_324 = tpu.memref_slice %arg5[%dma_wait3A_322, %dma_wait3A_323] : memref<32768x16xf32, #tpu.memory_space<hbm>> -> memref<32768x16xf32, #tpu.memory_space<hbm>>
      tpu.wait_indirect_dma semaphore(%arg13 : memref<!tpu.dma_semaphore, #tpu.memory_space<semaphore_mem>>) src(%dma_wait3A_324 : memref<32768x16xf32, #tpu.memory_space<hbm>>) dst(%dma_wait3A_318 : memref<128x16xf32, #tpu.memory_space<vmem>>)
      %dma_wait3A_325 = arith.constant 11 : i32
      %dma_wait3A_326 = arith.constant 1408 : i32
      %dma_wait3A_327 = arith.constant 0 : i32
      %dma_wait3A_328 = tpu.memref_slice %arg11[%dma_wait3A_326, %dma_wait3A_327] : memref<2048x16xf32, #tpu.memory_space<vmem>> -> memref<128x16xf32, #tpu.memory_space<vmem>>
      %dma_wait3A_329 = arith.constant 0 : i32
      %dma_wait3A_330 = tpu.memref_slice %arg10[%dma_wait3A_325, %dma_wait3A_329] : memref<16x128xi32, #tpu.memory_space<vmem>> -> memref<1x128xi32, #tpu.memory_space<vmem>>
      %dma_wait3A_331 = tpu.memref_squeeze %dma_wait3A_330 : memref<1x128xi32, #tpu.memory_space<vmem>> -> memref<128xi32, #tpu.memory_space<vmem>>
      %dma_wait3A_332 = arith.constant 0 : i32
      %dma_wait3A_333 = arith.constant 0 : i32
      %dma_wait3A_334 = tpu.memref_slice %arg5[%dma_wait3A_332, %dma_wait3A_333] : memref<32768x16xf32, #tpu.memory_space<hbm>> -> memref<32768x16xf32, #tpu.memory_space<hbm>>
      tpu.wait_indirect_dma semaphore(%arg13 : memref<!tpu.dma_semaphore, #tpu.memory_space<semaphore_mem>>) src(%dma_wait3A_334 : memref<32768x16xf32, #tpu.memory_space<hbm>>) dst(%dma_wait3A_328 : memref<128x16xf32, #tpu.memory_space<vmem>>)
      %dma_wait3A_335 = arith.constant 12 : i32
      %dma_wait3A_336 = arith.constant 1536 : i32
      %dma_wait3A_337 = arith.constant 0 : i32
      %dma_wait3A_338 = tpu.memref_slice %arg11[%dma_wait3A_336, %dma_wait3A_337] : memref<2048x16xf32, #tpu.memory_space<vmem>> -> memref<128x16xf32, #tpu.memory_space<vmem>>
      %dma_wait3A_339 = arith.constant 0 : i32
      %dma_wait3A_340 = tpu.memref_slice %arg10[%dma_wait3A_335, %dma_wait3A_339] : memref<16x128xi32, #tpu.memory_space<vmem>> -> memref<1x128xi32, #tpu.memory_space<vmem>>
      %dma_wait3A_341 = tpu.memref_squeeze %dma_wait3A_340 : memref<1x128xi32, #tpu.memory_space<vmem>> -> memref<128xi32, #tpu.memory_space<vmem>>
      %dma_wait3A_342 = arith.constant 0 : i32
      %dma_wait3A_343 = arith.constant 0 : i32
      %dma_wait3A_344 = tpu.memref_slice %arg5[%dma_wait3A_342, %dma_wait3A_343] : memref<32768x16xf32, #tpu.memory_space<hbm>> -> memref<32768x16xf32, #tpu.memory_space<hbm>>
      tpu.wait_indirect_dma semaphore(%arg13 : memref<!tpu.dma_semaphore, #tpu.memory_space<semaphore_mem>>) src(%dma_wait3A_344 : memref<32768x16xf32, #tpu.memory_space<hbm>>) dst(%dma_wait3A_338 : memref<128x16xf32, #tpu.memory_space<vmem>>)
      %dma_wait3A_345 = arith.constant 13 : i32
      %dma_wait3A_346 = arith.constant 1664 : i32
      %dma_wait3A_347 = arith.constant 0 : i32
      %dma_wait3A_348 = tpu.memref_slice %arg11[%dma_wait3A_346, %dma_wait3A_347] : memref<2048x16xf32, #tpu.memory_space<vmem>> -> memref<128x16xf32, #tpu.memory_space<vmem>>
      %dma_wait3A_349 = arith.constant 0 : i32
      %dma_wait3A_350 = tpu.memref_slice %arg10[%dma_wait3A_345, %dma_wait3A_349] : memref<16x128xi32, #tpu.memory_space<vmem>> -> memref<1x128xi32, #tpu.memory_space<vmem>>
      %dma_wait3A_351 = tpu.memref_squeeze %dma_wait3A_350 : memref<1x128xi32, #tpu.memory_space<vmem>> -> memref<128xi32, #tpu.memory_space<vmem>>
      %dma_wait3A_352 = arith.constant 0 : i32
      %dma_wait3A_353 = arith.constant 0 : i32
      %dma_wait3A_354 = tpu.memref_slice %arg5[%dma_wait3A_352, %dma_wait3A_353] : memref<32768x16xf32, #tpu.memory_space<hbm>> -> memref<32768x16xf32, #tpu.memory_space<hbm>>
      tpu.wait_indirect_dma semaphore(%arg13 : memref<!tpu.dma_semaphore, #tpu.memory_space<semaphore_mem>>) src(%dma_wait3A_354 : memref<32768x16xf32, #tpu.memory_space<hbm>>) dst(%dma_wait3A_348 : memref<128x16xf32, #tpu.memory_space<vmem>>)
      %dma_wait3A_355 = arith.constant 14 : i32
      %dma_wait3A_356 = arith.constant 1792 : i32
      %dma_wait3A_357 = arith.constant 0 : i32
      %dma_wait3A_358 = tpu.memref_slice %arg11[%dma_wait3A_356, %dma_wait3A_357] : memref<2048x16xf32, #tpu.memory_space<vmem>> -> memref<128x16xf32, #tpu.memory_space<vmem>>
      %dma_wait3A_359 = arith.constant 0 : i32
      %dma_wait3A_360 = tpu.memref_slice %arg10[%dma_wait3A_355, %dma_wait3A_359] : memref<16x128xi32, #tpu.memory_space<vmem>> -> memref<1x128xi32, #tpu.memory_space<vmem>>
      %dma_wait3A_361 = tpu.memref_squeeze %dma_wait3A_360 : memref<1x128xi32, #tpu.memory_space<vmem>> -> memref<128xi32, #tpu.memory_space<vmem>>
      %dma_wait3A_362 = arith.constant 0 : i32
      %dma_wait3A_363 = arith.constant 0 : i32
      %dma_wait3A_364 = tpu.memref_slice %arg5[%dma_wait3A_362, %dma_wait3A_363] : memref<32768x16xf32, #tpu.memory_space<hbm>> -> memref<32768x16xf32, #tpu.memory_space<hbm>>
      tpu.wait_indirect_dma semaphore(%arg13 : memref<!tpu.dma_semaphore, #tpu.memory_space<semaphore_mem>>) src(%dma_wait3A_364 : memref<32768x16xf32, #tpu.memory_space<hbm>>) dst(%dma_wait3A_358 : memref<128x16xf32, #tpu.memory_space<vmem>>)
      %dma_wait3A_365 = arith.constant 15 : i32
      %dma_wait3A_366 = arith.constant 1920 : i32
      %dma_wait3A_367 = arith.constant 0 : i32
      %dma_wait3A_368 = tpu.memref_slice %arg11[%dma_wait3A_366, %dma_wait3A_367] : memref<2048x16xf32, #tpu.memory_space<vmem>> -> memref<128x16xf32, #tpu.memory_space<vmem>>
      %dma_wait3A_369 = arith.constant 0 : i32
      %dma_wait3A_370 = tpu.memref_slice %arg10[%dma_wait3A_365, %dma_wait3A_369] : memref<16x128xi32, #tpu.memory_space<vmem>> -> memref<1x128xi32, #tpu.memory_space<vmem>>
      %dma_wait3A_371 = tpu.memref_squeeze %dma_wait3A_370 : memref<1x128xi32, #tpu.memory_space<vmem>> -> memref<128xi32, #tpu.memory_space<vmem>>
      %dma_wait3A_372 = arith.constant 0 : i32
      %dma_wait3A_373 = arith.constant 0 : i32
      %dma_wait3A_374 = tpu.memref_slice %arg5[%dma_wait3A_372, %dma_wait3A_373] : memref<32768x16xf32, #tpu.memory_space<hbm>> -> memref<32768x16xf32, #tpu.memory_space<hbm>>
      tpu.wait_indirect_dma semaphore(%arg13 : memref<!tpu.dma_semaphore, #tpu.memory_space<semaphore_mem>>) src(%dma_wait3A_374 : memref<32768x16xf32, #tpu.memory_space<hbm>>) dst(%dma_wait3A_368 : memref<128x16xf32, #tpu.memory_space<vmem>>)
      %scan3A_375 = arith.constant 0 : i32
      %scan3A_376 = arith.constant 0 : i32
      %scan3A_377 = arith.constant 2048 : i32
      %scan3A_378 = arith.addi %scan3A_376, %scan3A_377 : i32
      %scan3A_379 = arith.constant 1 : i32
      scf.for %scan3A_381 = %scan3A_376 to %scan3A_378 step %scan3A_379  : i32 {
        %broadcast_in_dim3A_382 = vector.broadcast %scan3A_381 : i32 to vector<16xi32>
        %gather3A = tpu.vector_load_idx %arg11[%broadcast_in_dim3A_382, %iota3A] : memref<2048x16xf32, #tpu.memory_space<vmem>>[vector<16xi32>, vector<16xi32>], vector<16xf32>,
        %gather3A_383 = tpu.vector_load_idx %arg9[%broadcast_in_dim3A_382] : memref<2048xf32, #tpu.memory_space<vmem>>[vector<16xi32>], vector<16xf32>,
        %gather3A_384 = tpu.vector_load_idx %arg7[%broadcast_in_dim3A_382] : memref<2048xi32, #tpu.memory_space<vmem>>[vector<16xi32>], vector<16xi32>,
        %mul3A_385 = arith.mulf %gather3A, %gather3A_383 : vector<16xf32>
        tpu.vector_store_idx %arg12[%gather3A_384, %iota3A], %mul3A_385 {add = true} : memref<4096x16xf32, #tpu.memory_space<vmem>>[vector<16xi32>, vector<16xi32>], vector<16xf32>,
      }
      %scan3A_380 = arith.constant 2048 : i32
    }
    %scan3A_42 = arith.constant 16 : i32
    %mul3A_43 = arith.constant 16 : i32
    %mul3A_44 = arith.muli %select_n3A, %mul3A_43 : i32
    "tpu.region"() ({
      %run_scoped3A = tpu.sem_alloc : memref<!tpu.dma_semaphore, #tpu.memory_space<semaphore_mem>>
      %dma_start3A = arith.constant 0 : i32
      %dma_start3A_45 = tpu.memref_slice %arg6[%select_n3A_30, %dma_start3A, %mul3A_44] : memref<4x4096x128xf32, #tpu.memory_space<hbm>> -> memref<1x4096x16xf32, #tpu.memory_space<hbm>>
      %dma_start3A_46 = tpu.memref_squeeze %dma_start3A_45 : memref<1x4096x16xf32, #tpu.memory_space<hbm>> -> memref<4096x16xf32, #tpu.memory_space<hbm>>
      %dma_start3A_47 = arith.constant 0 : i32
      %dma_start3A_48 = tpu.memref_slice %arg6[%select_n3A_30, %dma_start3A_47, %mul3A_44] : memref<4x4096x128xf32, #tpu.memory_space<hbm>> -> memref<1x4096x16xf32, #tpu.memory_space<hbm>>
      %dma_start3A_49 = tpu.memref_squeeze %dma_start3A_48 : memref<1x4096x16xf32, #tpu.memory_space<hbm>> -> memref<4096x16xf32, #tpu.memory_space<hbm>>
      tpu.enqueue_dma source(%arg12 : memref<4096x16xf32, #tpu.memory_space<vmem>>) target(%dma_start3A_49 : memref<4096x16xf32, #tpu.memory_space<hbm>>) target_semaphore(%run_scoped3A : memref<!tpu.dma_semaphore, #tpu.memory_space<semaphore_mem>>)
      %dma_wait3A = arith.constant 0 : i32
      %dma_wait3A_50 = tpu.memref_slice %arg6[%select_n3A_30, %dma_wait3A, %mul3A_44] : memref<4x4096x128xf32, #tpu.memory_space<hbm>> -> memref<1x4096x16xf32, #tpu.memory_space<hbm>>
      %dma_wait3A_51 = tpu.memref_squeeze %dma_wait3A_50 : memref<1x4096x16xf32, #tpu.memory_space<hbm>> -> memref<4096x16xf32, #tpu.memory_space<hbm>>
      %dma_wait3A_52 = arith.constant 0 : i32
      %dma_wait3A_53 = tpu.memref_slice %arg6[%select_n3A_30, %dma_wait3A_52, %mul3A_44] : memref<4x4096x128xf32, #tpu.memory_space<hbm>> -> memref<1x4096x16xf32, #tpu.memory_space<hbm>>
      %dma_wait3A_54 = tpu.memref_squeeze %dma_wait3A_53 : memref<1x4096x16xf32, #tpu.memory_space<hbm>> -> memref<4096x16xf32, #tpu.memory_space<hbm>>
      tpu.wait_dma2 semaphore(%run_scoped3A : memref<!tpu.dma_semaphore, #tpu.memory_space<semaphore_mem>>) src(%arg12 : memref<4096x16xf32, #tpu.memory_space<vmem>>) dst(%dma_wait3A_54 : memref<4096x16xf32, #tpu.memory_space<hbm>>)
      tpu.yield
    }) : () -> ()
    return
  }
}

#map = affine_map<(d0, d1) -> (0)>
#map1 = affine_map<(d0, d1) -> (0, 0)>
module attributes {stable_mosaic.version = 14 : i64} {
  func.func @body(%arg0: i32, %arg1: i32, %arg2: memref<131072xi32, #tpu.memory_space<hbm>>, %arg3: memref<131072xi32, #tpu.memory_space<hbm>>, %arg4: memref<4194304x16xf32, #tpu.memory_space<hbm>>, %arg5: memref<3x4096xf32, #tpu.memory_space<hbm>>, %arg6: memref<131072xf32, #tpu.memory_space<hbm>>, %arg7: memref<32x4096xf32, #tpu.memory_space<hbm>>, %arg8: memref<4096xi32, #tpu.memory_space<vmem>>, %arg9: memref<4096xi32, #tpu.memory_space<vmem>>, %arg10: memref<4096xf32, #tpu.memory_space<vmem>>, %arg11: memref<4096xf32, #tpu.memory_space<vmem>>, %arg12: memref<64xf32, #tpu.memory_space<vmem>>, %arg13: memref<8x128xi32, #tpu.memory_space<vmem>>, %arg14: memref<1024x16xf32, #tpu.memory_space<vmem>>, %arg15: memref<4096xf32, #tpu.memory_space<vmem>>, %arg16: memref<16x4096xf32, #tpu.memory_space<vmem>>, %arg17: memref<4096xf32, #tpu.memory_space<vmem>>, %arg18: memref<!tpu.dma_semaphore, #tpu.memory_space<semaphore_mem>>) attributes {dimension_semantics = [#tpu.dimension_semantics<core_parallel>, #tpu.dimension_semantics<subcore_parallel>], iteration_bounds = array<i64: 2, 16>, scalar_prefetch = 0 : i64, scratch_operands = 11 : i64, tpu.core_type = #tpu.core_type<sc_vector_subcore>, window_params = [{transform_indices = #map}, {transform_indices = #map}, {transform_indices = #map1}, {transform_indices = #map1}, {transform_indices = #map}, {transform_indices = #map1}]} {
    %iota3A = tpu.iota {dimensions = array<i32: 0>} : vector<16xi32>
    %mul3A = arith.constant 2 : i32
    %mul3A_0 = arith.muli %arg1, %mul3A : i32
    %add3A = arith.addi %mul3A_0, %arg0 : i32
    %mul3A_1 = arith.constant 4096 : i32
    %mul3A_2 = arith.muli %add3A, %mul3A_1 : i32
    "tpu.region"() ({
      %run_scoped3A_23 = tpu.sem_alloc : memref<!tpu.dma_semaphore, #tpu.memory_space<semaphore_mem>>
      %dma_start3A = tpu.memref_slice %arg2[%mul3A_2] : memref<131072xi32, #tpu.memory_space<hbm>> -> memref<4096xi32, #tpu.memory_space<hbm>>
      %dma_start3A_24 = tpu.memref_slice %arg2[%mul3A_2] : memref<131072xi32, #tpu.memory_space<hbm>> -> memref<4096xi32, #tpu.memory_space<hbm>>
      tpu.enqueue_dma source(%dma_start3A_24 : memref<4096xi32, #tpu.memory_space<hbm>>) target(%arg8 : memref<4096xi32, #tpu.memory_space<vmem>>) target_semaphore(%run_scoped3A_23 : memref<!tpu.dma_semaphore, #tpu.memory_space<semaphore_mem>>)
      %dma_wait3A = tpu.memref_slice %arg2[%mul3A_2] : memref<131072xi32, #tpu.memory_space<hbm>> -> memref<4096xi32, #tpu.memory_space<hbm>>
      %dma_wait3A_25 = tpu.memref_slice %arg2[%mul3A_2] : memref<131072xi32, #tpu.memory_space<hbm>> -> memref<4096xi32, #tpu.memory_space<hbm>>
      tpu.wait_dma2 semaphore(%run_scoped3A_23 : memref<!tpu.dma_semaphore, #tpu.memory_space<semaphore_mem>>) src(%dma_wait3A_25 : memref<4096xi32, #tpu.memory_space<hbm>>) dst(%arg8 : memref<4096xi32, #tpu.memory_space<vmem>>)
      tpu.yield
    }) : () -> ()
    "tpu.region"() ({
      %run_scoped3A_23 = tpu.sem_alloc : memref<!tpu.dma_semaphore, #tpu.memory_space<semaphore_mem>>
      %dma_start3A = tpu.memref_slice %arg3[%mul3A_2] : memref<131072xi32, #tpu.memory_space<hbm>> -> memref<4096xi32, #tpu.memory_space<hbm>>
      %dma_start3A_24 = tpu.memref_slice %arg3[%mul3A_2] : memref<131072xi32, #tpu.memory_space<hbm>> -> memref<4096xi32, #tpu.memory_space<hbm>>
      tpu.enqueue_dma source(%dma_start3A_24 : memref<4096xi32, #tpu.memory_space<hbm>>) target(%arg9 : memref<4096xi32, #tpu.memory_space<vmem>>) target_semaphore(%run_scoped3A_23 : memref<!tpu.dma_semaphore, #tpu.memory_space<semaphore_mem>>)
      %dma_wait3A = tpu.memref_slice %arg3[%mul3A_2] : memref<131072xi32, #tpu.memory_space<hbm>> -> memref<4096xi32, #tpu.memory_space<hbm>>
      %dma_wait3A_25 = tpu.memref_slice %arg3[%mul3A_2] : memref<131072xi32, #tpu.memory_space<hbm>> -> memref<4096xi32, #tpu.memory_space<hbm>>
      tpu.wait_dma2 semaphore(%run_scoped3A_23 : memref<!tpu.dma_semaphore, #tpu.memory_space<semaphore_mem>>) src(%dma_wait3A_25 : memref<4096xi32, #tpu.memory_space<hbm>>) dst(%arg9 : memref<4096xi32, #tpu.memory_space<vmem>>)
      tpu.yield
    }) : () -> ()
    %run_scoped3A = arith.constant 0 : i32
    "tpu.region"() ({
      %run_scoped3A_23 = tpu.sem_alloc : memref<!tpu.dma_semaphore, #tpu.memory_space<semaphore_mem>>
      %dma_start3A = arith.constant 0 : i32
      %dma_start3A_24 = tpu.memref_slice %arg5[%run_scoped3A, %dma_start3A] : memref<3x4096xf32, #tpu.memory_space<hbm>> -> memref<1x4096xf32, #tpu.memory_space<hbm>>
      %dma_start3A_25 = tpu.memref_squeeze %dma_start3A_24 : memref<1x4096xf32, #tpu.memory_space<hbm>> -> memref<4096xf32, #tpu.memory_space<hbm>>
      %dma_start3A_26 = arith.constant 0 : i32
      %dma_start3A_27 = tpu.memref_slice %arg5[%run_scoped3A, %dma_start3A_26] : memref<3x4096xf32, #tpu.memory_space<hbm>> -> memref<1x4096xf32, #tpu.memory_space<hbm>>
      %dma_start3A_28 = tpu.memref_squeeze %dma_start3A_27 : memref<1x4096xf32, #tpu.memory_space<hbm>> -> memref<4096xf32, #tpu.memory_space<hbm>>
      tpu.enqueue_dma source(%dma_start3A_28 : memref<4096xf32, #tpu.memory_space<hbm>>) target(%arg10 : memref<4096xf32, #tpu.memory_space<vmem>>) target_semaphore(%run_scoped3A_23 : memref<!tpu.dma_semaphore, #tpu.memory_space<semaphore_mem>>)
      %dma_wait3A = arith.constant 0 : i32
      %dma_wait3A_29 = tpu.memref_slice %arg5[%run_scoped3A, %dma_wait3A] : memref<3x4096xf32, #tpu.memory_space<hbm>> -> memref<1x4096xf32, #tpu.memory_space<hbm>>
      %dma_wait3A_30 = tpu.memref_squeeze %dma_wait3A_29 : memref<1x4096xf32, #tpu.memory_space<hbm>> -> memref<4096xf32, #tpu.memory_space<hbm>>
      %dma_wait3A_31 = arith.constant 0 : i32
      %dma_wait3A_32 = tpu.memref_slice %arg5[%run_scoped3A, %dma_wait3A_31] : memref<3x4096xf32, #tpu.memory_space<hbm>> -> memref<1x4096xf32, #tpu.memory_space<hbm>>
      %dma_wait3A_33 = tpu.memref_squeeze %dma_wait3A_32 : memref<1x4096xf32, #tpu.memory_space<hbm>> -> memref<4096xf32, #tpu.memory_space<hbm>>
      tpu.wait_dma2 semaphore(%run_scoped3A_23 : memref<!tpu.dma_semaphore, #tpu.memory_space<semaphore_mem>>) src(%dma_wait3A_33 : memref<4096xf32, #tpu.memory_space<hbm>>) dst(%arg10 : memref<4096xf32, #tpu.memory_space<vmem>>)
      tpu.yield
    }) : () -> ()
    %run_scoped3A_3 = arith.constant 1 : i32
    "tpu.region"() ({
      %run_scoped3A_23 = tpu.sem_alloc : memref<!tpu.dma_semaphore, #tpu.memory_space<semaphore_mem>>
      %dma_start3A = arith.constant 0 : i32
      %dma_start3A_24 = tpu.memref_slice %arg5[%run_scoped3A_3, %dma_start3A] : memref<3x4096xf32, #tpu.memory_space<hbm>> -> memref<1x4096xf32, #tpu.memory_space<hbm>>
      %dma_start3A_25 = tpu.memref_squeeze %dma_start3A_24 : memref<1x4096xf32, #tpu.memory_space<hbm>> -> memref<4096xf32, #tpu.memory_space<hbm>>
      %dma_start3A_26 = arith.constant 0 : i32
      %dma_start3A_27 = tpu.memref_slice %arg5[%run_scoped3A_3, %dma_start3A_26] : memref<3x4096xf32, #tpu.memory_space<hbm>> -> memref<1x4096xf32, #tpu.memory_space<hbm>>
      %dma_start3A_28 = tpu.memref_squeeze %dma_start3A_27 : memref<1x4096xf32, #tpu.memory_space<hbm>> -> memref<4096xf32, #tpu.memory_space<hbm>>
      tpu.enqueue_dma source(%dma_start3A_28 : memref<4096xf32, #tpu.memory_space<hbm>>) target(%arg11 : memref<4096xf32, #tpu.memory_space<vmem>>) target_semaphore(%run_scoped3A_23 : memref<!tpu.dma_semaphore, #tpu.memory_space<semaphore_mem>>)
      %dma_wait3A = arith.constant 0 : i32
      %dma_wait3A_29 = tpu.memref_slice %arg5[%run_scoped3A_3, %dma_wait3A] : memref<3x4096xf32, #tpu.memory_space<hbm>> -> memref<1x4096xf32, #tpu.memory_space<hbm>>
      %dma_wait3A_30 = tpu.memref_squeeze %dma_wait3A_29 : memref<1x4096xf32, #tpu.memory_space<hbm>> -> memref<4096xf32, #tpu.memory_space<hbm>>
      %dma_wait3A_31 = arith.constant 0 : i32
      %dma_wait3A_32 = tpu.memref_slice %arg5[%run_scoped3A_3, %dma_wait3A_31] : memref<3x4096xf32, #tpu.memory_space<hbm>> -> memref<1x4096xf32, #tpu.memory_space<hbm>>
      %dma_wait3A_33 = tpu.memref_squeeze %dma_wait3A_32 : memref<1x4096xf32, #tpu.memory_space<hbm>> -> memref<4096xf32, #tpu.memory_space<hbm>>
      tpu.wait_dma2 semaphore(%run_scoped3A_23 : memref<!tpu.dma_semaphore, #tpu.memory_space<semaphore_mem>>) src(%dma_wait3A_33 : memref<4096xf32, #tpu.memory_space<hbm>>) dst(%arg11 : memref<4096xf32, #tpu.memory_space<vmem>>)
      tpu.yield
    }) : () -> ()
    %run_scoped3A_4 = arith.constant 2 : i32
    "tpu.region"() ({
      %run_scoped3A_23 = tpu.sem_alloc : memref<!tpu.dma_semaphore, #tpu.memory_space<semaphore_mem>>
      %dma_start3A = arith.constant 0 : i32
      %dma_start3A_24 = tpu.memref_slice %arg5[%run_scoped3A_4, %dma_start3A] : memref<3x4096xf32, #tpu.memory_space<hbm>> -> memref<1x64xf32, #tpu.memory_space<hbm>>
      %dma_start3A_25 = tpu.memref_squeeze %dma_start3A_24 : memref<1x64xf32, #tpu.memory_space<hbm>> -> memref<64xf32, #tpu.memory_space<hbm>>
      %dma_start3A_26 = arith.constant 0 : i32
      %dma_start3A_27 = tpu.memref_slice %arg5[%run_scoped3A_4, %dma_start3A_26] : memref<3x4096xf32, #tpu.memory_space<hbm>> -> memref<1x64xf32, #tpu.memory_space<hbm>>
      %dma_start3A_28 = tpu.memref_squeeze %dma_start3A_27 : memref<1x64xf32, #tpu.memory_space<hbm>> -> memref<64xf32, #tpu.memory_space<hbm>>
      tpu.enqueue_dma source(%dma_start3A_28 : memref<64xf32, #tpu.memory_space<hbm>>) target(%arg12 : memref<64xf32, #tpu.memory_space<vmem>>) target_semaphore(%run_scoped3A_23 : memref<!tpu.dma_semaphore, #tpu.memory_space<semaphore_mem>>)
      %dma_wait3A = arith.constant 0 : i32
      %dma_wait3A_29 = tpu.memref_slice %arg5[%run_scoped3A_4, %dma_wait3A] : memref<3x4096xf32, #tpu.memory_space<hbm>> -> memref<1x64xf32, #tpu.memory_space<hbm>>
      %dma_wait3A_30 = tpu.memref_squeeze %dma_wait3A_29 : memref<1x64xf32, #tpu.memory_space<hbm>> -> memref<64xf32, #tpu.memory_space<hbm>>
      %dma_wait3A_31 = arith.constant 0 : i32
      %dma_wait3A_32 = tpu.memref_slice %arg5[%run_scoped3A_4, %dma_wait3A_31] : memref<3x4096xf32, #tpu.memory_space<hbm>> -> memref<1x64xf32, #tpu.memory_space<hbm>>
      %dma_wait3A_33 = tpu.memref_squeeze %dma_wait3A_32 : memref<1x64xf32, #tpu.memory_space<hbm>> -> memref<64xf32, #tpu.memory_space<hbm>>
      tpu.wait_dma2 semaphore(%run_scoped3A_23 : memref<!tpu.dma_semaphore, #tpu.memory_space<semaphore_mem>>) src(%dma_wait3A_33 : memref<64xf32, #tpu.memory_space<hbm>>) dst(%arg12 : memref<64xf32, #tpu.memory_space<vmem>>)
      tpu.yield
    }) : () -> ()
    %broadcast_in_dim3A = arith.constant 0.000000e+00 : f32
    %broadcast_in_dim3A_5 = vector.broadcast %broadcast_in_dim3A : f32 to vector<16xf32>
    %scan3A = arith.constant 0 : i32
    %scan3A_6 = arith.constant 0 : i32
    %scan3A_7 = arith.constant 4096 : i32
    %scan3A_8 = arith.addi %scan3A_6, %scan3A_7 : i32
    %scan3A_9 = arith.constant 1 : i32
    scf.for %scan3A_23 = %scan3A_6 to %scan3A_8 step %scan3A_9  : i32 {
      %broadcast_in_dim3A_24 = vector.broadcast %scan3A_23 : i32 to vector<16xi32>
      tpu.vector_store_idx %arg16[%iota3A, %broadcast_in_dim3A_24], %broadcast_in_dim3A_5 : memref<16x4096xf32, #tpu.memory_space<vmem>>[vector<16xi32>, vector<16xi32>], vector<16xf32>,
    }
    %scan3A_10 = arith.constant 4096 : i32
    %scan3A_11 = arith.constant 0 : i32
    %scan3A_12 = arith.constant 0 : i32
    %scan3A_13 = arith.constant 4 : i32
    %scan3A_14 = arith.addi %scan3A_12, %scan3A_13 : i32
    %scan3A_15 = arith.constant 1 : i32
    scf.for %scan3A_23 = %scan3A_12 to %scan3A_14 step %scan3A_15  : i32 {
      %mul3A_24 = arith.constant 1024 : i32
      %mul3A_25 = arith.muli %scan3A_23, %mul3A_24 : i32
      %scan3A_26 = arith.constant 0 : i32
      %scan3A_27 = arith.constant 0 : i32
      %scan3A_28 = arith.constant 64 : i32
      %scan3A_29 = arith.addi %scan3A_27, %scan3A_28 : i32
      %scan3A_30 = arith.constant 1 : i32
      scf.for %scan3A_196 = %scan3A_27 to %scan3A_29 step %scan3A_30  : i32 {
        %mul3A_197 = arith.constant 16 : i32
        %mul3A_198 = arith.muli %scan3A_196, %mul3A_197 : i32
        %add3A_199 = arith.addi %mul3A_25, %mul3A_198 : i32
        %add3A_200 = vector.broadcast %add3A_199 : i32 to vector<16xi32>
        %add3A_201 = arith.addi %add3A_200, %iota3A : vector<16xi32>
        %gather3A = tpu.vector_load_idx %arg8[%add3A_201] : memref<4096xi32, #tpu.memory_space<vmem>>[vector<16xi32>], vector<16xi32>,
        %gather3A_202 = tpu.vector_load_idx %arg9[%add3A_201] : memref<4096xi32, #tpu.memory_space<vmem>>[vector<16xi32>], vector<16xi32>,
        %mul3A_203 = arith.constant 1024 : i32
        %mul3A_204 = vector.broadcast %mul3A_203 : i32 to vector<16xi32>
        %mul3A_205 = arith.muli %gather3A, %mul3A_204 : vector<16xi32>
        %shift_right_logical3A = arith.constant 2 : i32
        %shift_right_logical3A_206 = vector.broadcast %shift_right_logical3A : i32 to vector<16xi32>
        %shift_right_logical3A_207 = arith.shrui %gather3A_202, %shift_right_logical3A_206 : vector<16xi32>
        %add3A_208 = arith.addi %mul3A_205, %shift_right_logical3A_207 : vector<16xi32>
        %jit3A = arith.constant 8 : i32
        %div3A = arith.divsi %scan3A_196, %jit3A : i32
        %sign3A = arith.constant 0 : i32
        %sign3A_209 = arith.cmpi sgt, %scan3A_196, %sign3A : i32
        %sign3A_210 = arith.extui %sign3A_209 : i1 to i32
        %sign3A_211 = arith.constant 0 : i32
        %sign3A_212 = arith.cmpi slt, %scan3A_196, %sign3A_211 : i32
        %sign3A_213 = arith.extui %sign3A_212 : i1 to i32
        %sign3A_214 = arith.subi %sign3A_210, %sign3A_213 : i32
        %sign3A_215 = arith.constant 0 : i32
        %sign3A_216 = arith.cmpi sgt, %jit3A, %sign3A_215 : i32
        %sign3A_217 = arith.extui %sign3A_216 : i1 to i32
        %sign3A_218 = arith.constant 0 : i32
        %sign3A_219 = arith.cmpi slt, %jit3A, %sign3A_218 : i32
        %sign3A_220 = arith.extui %sign3A_219 : i1 to i32
        %sign3A_221 = arith.subi %sign3A_217, %sign3A_220 : i32
        %ne3A = arith.cmpi ne, %sign3A_214, %sign3A_221 : i32
        %rem3A = arith.remsi %scan3A_196, %jit3A : i32
        %ne3A_222 = arith.constant 0 : i32
        %ne3A_223 = arith.cmpi ne, %rem3A, %ne3A_222 : i32
        %and3A = arith.andi %ne3A, %ne3A_223 : i1
        %sub3A = arith.constant 1 : i32
        %sub3A_224 = arith.subi %div3A, %sub3A : i32
        %select_n3A = arith.select %and3A, %sub3A_224, %div3A : i32
        %broadcast_in_dim3A_225 = vector.broadcast %select_n3A : i32 to vector<16xi32>
        %jit3A_226 = arith.constant 8 : i32
        %eq3A = arith.constant 0 : i32
        %eq3A_227 = arith.cmpi eq, %jit3A_226, %eq3A : i32
        %jit3A_228 = arith.constant 1 : i32
        %select_n3A_229 = arith.select %eq3A_227, %jit3A_228, %jit3A_226 : i32
        %rem3A_230 = arith.remsi %scan3A_196, %select_n3A_229 : i32
        %ne3A_231 = arith.constant 0 : i32
        %ne3A_232 = arith.cmpi ne, %rem3A_230, %ne3A_231 : i32
        %lt3A = arith.constant 0 : i32
        %lt3A_233 = arith.cmpi slt, %rem3A_230, %lt3A : i32
        %lt3A_234 = arith.constant 0 : i32
        %lt3A_235 = arith.cmpi slt, %select_n3A_229, %lt3A_234 : i32
        %ne3A_236 = arith.xori %lt3A_233, %lt3A_235 : i1
        %and3A_237 = arith.andi %ne3A_236, %ne3A_232 : i1
        %add3A_238 = arith.addi %rem3A_230, %select_n3A_229 : i32
        %select_n3A_239 = arith.select %and3A_237, %add3A_238, %rem3A_230 : i32
        %mul3A_240 = arith.constant 16 : i32
        %mul3A_241 = arith.muli %select_n3A_239, %mul3A_240 : i32
        %add3A_242 = vector.broadcast %mul3A_241 : i32 to vector<16xi32>
        %add3A_243 = arith.addi %add3A_242, %iota3A : vector<16xi32>
        tpu.vector_store_idx %arg13[%broadcast_in_dim3A_225, %add3A_243], %add3A_208 : memref<8x128xi32, #tpu.memory_space<vmem>>[vector<16xi32>, vector<16xi32>], vector<16xi32>,
      }
      %scan3A_31 = arith.constant 64 : i32
      %dma_start3A = arith.constant 0 : i32
      %dma_start3A_32 = arith.constant 0 : i32
      %dma_start3A_33 = arith.constant 0 : i32
      %dma_start3A_34 = tpu.memref_slice %arg14[%dma_start3A_32, %dma_start3A_33] : memref<1024x16xf32, #tpu.memory_space<vmem>> -> memref<128x16xf32, #tpu.memory_space<vmem>>
      %dma_start3A_35 = arith.constant 0 : i32
      %dma_start3A_36 = tpu.memref_slice %arg13[%dma_start3A, %dma_start3A_35] : memref<8x128xi32, #tpu.memory_space<vmem>> -> memref<1x128xi32, #tpu.memory_space<vmem>>
      %dma_start3A_37 = tpu.memref_squeeze %dma_start3A_36 : memref<1x128xi32, #tpu.memory_space<vmem>> -> memref<128xi32, #tpu.memory_space<vmem>>
      %dma_start3A_38 = arith.constant 0 : i32
      %dma_start3A_39 = arith.constant 0 : i32
      %dma_start3A_40 = tpu.memref_slice %arg4[%dma_start3A_38, %dma_start3A_39] : memref<4194304x16xf32, #tpu.memory_space<hbm>> -> memref<4194304x16xf32, #tpu.memory_space<hbm>>
      tpu.enqueue_indirect_dma source(%dma_start3A_40 : memref<4194304x16xf32, #tpu.memory_space<hbm>>) target(%dma_start3A_34 : memref<128x16xf32, #tpu.memory_space<vmem>>) offsets(%dma_start3A_37 : memref<128xi32, #tpu.memory_space<vmem>>) semaphore(%arg18 : memref<!tpu.dma_semaphore, #tpu.memory_space<semaphore_mem>>)
      %dma_start3A_41 = arith.constant 1 : i32
      %dma_start3A_42 = arith.constant 128 : i32
      %dma_start3A_43 = arith.constant 0 : i32
      %dma_start3A_44 = tpu.memref_slice %arg14[%dma_start3A_42, %dma_start3A_43] : memref<1024x16xf32, #tpu.memory_space<vmem>> -> memref<128x16xf32, #tpu.memory_space<vmem>>
      %dma_start3A_45 = arith.constant 0 : i32
      %dma_start3A_46 = tpu.memref_slice %arg13[%dma_start3A_41, %dma_start3A_45] : memref<8x128xi32, #tpu.memory_space<vmem>> -> memref<1x128xi32, #tpu.memory_space<vmem>>
      %dma_start3A_47 = tpu.memref_squeeze %dma_start3A_46 : memref<1x128xi32, #tpu.memory_space<vmem>> -> memref<128xi32, #tpu.memory_space<vmem>>
      %dma_start3A_48 = arith.constant 0 : i32
      %dma_start3A_49 = arith.constant 0 : i32
      %dma_start3A_50 = tpu.memref_slice %arg4[%dma_start3A_48, %dma_start3A_49] : memref<4194304x16xf32, #tpu.memory_space<hbm>> -> memref<4194304x16xf32, #tpu.memory_space<hbm>>
      tpu.enqueue_indirect_dma source(%dma_start3A_50 : memref<4194304x16xf32, #tpu.memory_space<hbm>>) target(%dma_start3A_44 : memref<128x16xf32, #tpu.memory_space<vmem>>) offsets(%dma_start3A_47 : memref<128xi32, #tpu.memory_space<vmem>>) semaphore(%arg18 : memref<!tpu.dma_semaphore, #tpu.memory_space<semaphore_mem>>)
      %dma_start3A_51 = arith.constant 2 : i32
      %dma_start3A_52 = arith.constant 256 : i32
      %dma_start3A_53 = arith.constant 0 : i32
      %dma_start3A_54 = tpu.memref_slice %arg14[%dma_start3A_52, %dma_start3A_53] : memref<1024x16xf32, #tpu.memory_space<vmem>> -> memref<128x16xf32, #tpu.memory_space<vmem>>
      %dma_start3A_55 = arith.constant 0 : i32
      %dma_start3A_56 = tpu.memref_slice %arg13[%dma_start3A_51, %dma_start3A_55] : memref<8x128xi32, #tpu.memory_space<vmem>> -> memref<1x128xi32, #tpu.memory_space<vmem>>
      %dma_start3A_57 = tpu.memref_squeeze %dma_start3A_56 : memref<1x128xi32, #tpu.memory_space<vmem>> -> memref<128xi32, #tpu.memory_space<vmem>>
      %dma_start3A_58 = arith.constant 0 : i32
      %dma_start3A_59 = arith.constant 0 : i32
      %dma_start3A_60 = tpu.memref_slice %arg4[%dma_start3A_58, %dma_start3A_59] : memref<4194304x16xf32, #tpu.memory_space<hbm>> -> memref<4194304x16xf32, #tpu.memory_space<hbm>>
      tpu.enqueue_indirect_dma source(%dma_start3A_60 : memref<4194304x16xf32, #tpu.memory_space<hbm>>) target(%dma_start3A_54 : memref<128x16xf32, #tpu.memory_space<vmem>>) offsets(%dma_start3A_57 : memref<128xi32, #tpu.memory_space<vmem>>) semaphore(%arg18 : memref<!tpu.dma_semaphore, #tpu.memory_space<semaphore_mem>>)
      %dma_start3A_61 = arith.constant 3 : i32
      %dma_start3A_62 = arith.constant 384 : i32
      %dma_start3A_63 = arith.constant 0 : i32
      %dma_start3A_64 = tpu.memref_slice %arg14[%dma_start3A_62, %dma_start3A_63] : memref<1024x16xf32, #tpu.memory_space<vmem>> -> memref<128x16xf32, #tpu.memory_space<vmem>>
      %dma_start3A_65 = arith.constant 0 : i32
      %dma_start3A_66 = tpu.memref_slice %arg13[%dma_start3A_61, %dma_start3A_65] : memref<8x128xi32, #tpu.memory_space<vmem>> -> memref<1x128xi32, #tpu.memory_space<vmem>>
      %dma_start3A_67 = tpu.memref_squeeze %dma_start3A_66 : memref<1x128xi32, #tpu.memory_space<vmem>> -> memref<128xi32, #tpu.memory_space<vmem>>
      %dma_start3A_68 = arith.constant 0 : i32
      %dma_start3A_69 = arith.constant 0 : i32
      %dma_start3A_70 = tpu.memref_slice %arg4[%dma_start3A_68, %dma_start3A_69] : memref<4194304x16xf32, #tpu.memory_space<hbm>> -> memref<4194304x16xf32, #tpu.memory_space<hbm>>
      tpu.enqueue_indirect_dma source(%dma_start3A_70 : memref<4194304x16xf32, #tpu.memory_space<hbm>>) target(%dma_start3A_64 : memref<128x16xf32, #tpu.memory_space<vmem>>) offsets(%dma_start3A_67 : memref<128xi32, #tpu.memory_space<vmem>>) semaphore(%arg18 : memref<!tpu.dma_semaphore, #tpu.memory_space<semaphore_mem>>)
      %dma_start3A_71 = arith.constant 4 : i32
      %dma_start3A_72 = arith.constant 512 : i32
      %dma_start3A_73 = arith.constant 0 : i32
      %dma_start3A_74 = tpu.memref_slice %arg14[%dma_start3A_72, %dma_start3A_73] : memref<1024x16xf32, #tpu.memory_space<vmem>> -> memref<128x16xf32, #tpu.memory_space<vmem>>
      %dma_start3A_75 = arith.constant 0 : i32
      %dma_start3A_76 = tpu.memref_slice %arg13[%dma_start3A_71, %dma_start3A_75] : memref<8x128xi32, #tpu.memory_space<vmem>> -> memref<1x128xi32, #tpu.memory_space<vmem>>
      %dma_start3A_77 = tpu.memref_squeeze %dma_start3A_76 : memref<1x128xi32, #tpu.memory_space<vmem>> -> memref<128xi32, #tpu.memory_space<vmem>>
      %dma_start3A_78 = arith.constant 0 : i32
      %dma_start3A_79 = arith.constant 0 : i32
      %dma_start3A_80 = tpu.memref_slice %arg4[%dma_start3A_78, %dma_start3A_79] : memref<4194304x16xf32, #tpu.memory_space<hbm>> -> memref<4194304x16xf32, #tpu.memory_space<hbm>>
      tpu.enqueue_indirect_dma source(%dma_start3A_80 : memref<4194304x16xf32, #tpu.memory_space<hbm>>) target(%dma_start3A_74 : memref<128x16xf32, #tpu.memory_space<vmem>>) offsets(%dma_start3A_77 : memref<128xi32, #tpu.memory_space<vmem>>) semaphore(%arg18 : memref<!tpu.dma_semaphore, #tpu.memory_space<semaphore_mem>>)
      %dma_start3A_81 = arith.constant 5 : i32
      %dma_start3A_82 = arith.constant 640 : i32
      %dma_start3A_83 = arith.constant 0 : i32
      %dma_start3A_84 = tpu.memref_slice %arg14[%dma_start3A_82, %dma_start3A_83] : memref<1024x16xf32, #tpu.memory_space<vmem>> -> memref<128x16xf32, #tpu.memory_space<vmem>>
      %dma_start3A_85 = arith.constant 0 : i32
      %dma_start3A_86 = tpu.memref_slice %arg13[%dma_start3A_81, %dma_start3A_85] : memref<8x128xi32, #tpu.memory_space<vmem>> -> memref<1x128xi32, #tpu.memory_space<vmem>>
      %dma_start3A_87 = tpu.memref_squeeze %dma_start3A_86 : memref<1x128xi32, #tpu.memory_space<vmem>> -> memref<128xi32, #tpu.memory_space<vmem>>
      %dma_start3A_88 = arith.constant 0 : i32
      %dma_start3A_89 = arith.constant 0 : i32
      %dma_start3A_90 = tpu.memref_slice %arg4[%dma_start3A_88, %dma_start3A_89] : memref<4194304x16xf32, #tpu.memory_space<hbm>> -> memref<4194304x16xf32, #tpu.memory_space<hbm>>
      tpu.enqueue_indirect_dma source(%dma_start3A_90 : memref<4194304x16xf32, #tpu.memory_space<hbm>>) target(%dma_start3A_84 : memref<128x16xf32, #tpu.memory_space<vmem>>) offsets(%dma_start3A_87 : memref<128xi32, #tpu.memory_space<vmem>>) semaphore(%arg18 : memref<!tpu.dma_semaphore, #tpu.memory_space<semaphore_mem>>)
      %dma_start3A_91 = arith.constant 6 : i32
      %dma_start3A_92 = arith.constant 768 : i32
      %dma_start3A_93 = arith.constant 0 : i32
      %dma_start3A_94 = tpu.memref_slice %arg14[%dma_start3A_92, %dma_start3A_93] : memref<1024x16xf32, #tpu.memory_space<vmem>> -> memref<128x16xf32, #tpu.memory_space<vmem>>
      %dma_start3A_95 = arith.constant 0 : i32
      %dma_start3A_96 = tpu.memref_slice %arg13[%dma_start3A_91, %dma_start3A_95] : memref<8x128xi32, #tpu.memory_space<vmem>> -> memref<1x128xi32, #tpu.memory_space<vmem>>
      %dma_start3A_97 = tpu.memref_squeeze %dma_start3A_96 : memref<1x128xi32, #tpu.memory_space<vmem>> -> memref<128xi32, #tpu.memory_space<vmem>>
      %dma_start3A_98 = arith.constant 0 : i32
      %dma_start3A_99 = arith.constant 0 : i32
      %dma_start3A_100 = tpu.memref_slice %arg4[%dma_start3A_98, %dma_start3A_99] : memref<4194304x16xf32, #tpu.memory_space<hbm>> -> memref<4194304x16xf32, #tpu.memory_space<hbm>>
      tpu.enqueue_indirect_dma source(%dma_start3A_100 : memref<4194304x16xf32, #tpu.memory_space<hbm>>) target(%dma_start3A_94 : memref<128x16xf32, #tpu.memory_space<vmem>>) offsets(%dma_start3A_97 : memref<128xi32, #tpu.memory_space<vmem>>) semaphore(%arg18 : memref<!tpu.dma_semaphore, #tpu.memory_space<semaphore_mem>>)
      %dma_start3A_101 = arith.constant 7 : i32
      %dma_start3A_102 = arith.constant 896 : i32
      %dma_start3A_103 = arith.constant 0 : i32
      %dma_start3A_104 = tpu.memref_slice %arg14[%dma_start3A_102, %dma_start3A_103] : memref<1024x16xf32, #tpu.memory_space<vmem>> -> memref<128x16xf32, #tpu.memory_space<vmem>>
      %dma_start3A_105 = arith.constant 0 : i32
      %dma_start3A_106 = tpu.memref_slice %arg13[%dma_start3A_101, %dma_start3A_105] : memref<8x128xi32, #tpu.memory_space<vmem>> -> memref<1x128xi32, #tpu.memory_space<vmem>>
      %dma_start3A_107 = tpu.memref_squeeze %dma_start3A_106 : memref<1x128xi32, #tpu.memory_space<vmem>> -> memref<128xi32, #tpu.memory_space<vmem>>
      %dma_start3A_108 = arith.constant 0 : i32
      %dma_start3A_109 = arith.constant 0 : i32
      %dma_start3A_110 = tpu.memref_slice %arg4[%dma_start3A_108, %dma_start3A_109] : memref<4194304x16xf32, #tpu.memory_space<hbm>> -> memref<4194304x16xf32, #tpu.memory_space<hbm>>
      tpu.enqueue_indirect_dma source(%dma_start3A_110 : memref<4194304x16xf32, #tpu.memory_space<hbm>>) target(%dma_start3A_104 : memref<128x16xf32, #tpu.memory_space<vmem>>) offsets(%dma_start3A_107 : memref<128xi32, #tpu.memory_space<vmem>>) semaphore(%arg18 : memref<!tpu.dma_semaphore, #tpu.memory_space<semaphore_mem>>)
      %dma_wait3A = arith.constant 0 : i32
      %dma_wait3A_111 = arith.constant 0 : i32
      %dma_wait3A_112 = arith.constant 0 : i32
      %dma_wait3A_113 = tpu.memref_slice %arg14[%dma_wait3A_111, %dma_wait3A_112] : memref<1024x16xf32, #tpu.memory_space<vmem>> -> memref<128x16xf32, #tpu.memory_space<vmem>>
      %dma_wait3A_114 = arith.constant 0 : i32
      %dma_wait3A_115 = tpu.memref_slice %arg13[%dma_wait3A, %dma_wait3A_114] : memref<8x128xi32, #tpu.memory_space<vmem>> -> memref<1x128xi32, #tpu.memory_space<vmem>>
      %dma_wait3A_116 = tpu.memref_squeeze %dma_wait3A_115 : memref<1x128xi32, #tpu.memory_space<vmem>> -> memref<128xi32, #tpu.memory_space<vmem>>
      %dma_wait3A_117 = arith.constant 0 : i32
      %dma_wait3A_118 = arith.constant 0 : i32
      %dma_wait3A_119 = tpu.memref_slice %arg4[%dma_wait3A_117, %dma_wait3A_118] : memref<4194304x16xf32, #tpu.memory_space<hbm>> -> memref<4194304x16xf32, #tpu.memory_space<hbm>>
      tpu.wait_indirect_dma semaphore(%arg18 : memref<!tpu.dma_semaphore, #tpu.memory_space<semaphore_mem>>) src(%dma_wait3A_119 : memref<4194304x16xf32, #tpu.memory_space<hbm>>) dst(%dma_wait3A_113 : memref<128x16xf32, #tpu.memory_space<vmem>>)
      %dma_wait3A_120 = arith.constant 1 : i32
      %dma_wait3A_121 = arith.constant 128 : i32
      %dma_wait3A_122 = arith.constant 0 : i32
      %dma_wait3A_123 = tpu.memref_slice %arg14[%dma_wait3A_121, %dma_wait3A_122] : memref<1024x16xf32, #tpu.memory_space<vmem>> -> memref<128x16xf32, #tpu.memory_space<vmem>>
      %dma_wait3A_124 = arith.constant 0 : i32
      %dma_wait3A_125 = tpu.memref_slice %arg13[%dma_wait3A_120, %dma_wait3A_124] : memref<8x128xi32, #tpu.memory_space<vmem>> -> memref<1x128xi32, #tpu.memory_space<vmem>>
      %dma_wait3A_126 = tpu.memref_squeeze %dma_wait3A_125 : memref<1x128xi32, #tpu.memory_space<vmem>> -> memref<128xi32, #tpu.memory_space<vmem>>
      %dma_wait3A_127 = arith.constant 0 : i32
      %dma_wait3A_128 = arith.constant 0 : i32
      %dma_wait3A_129 = tpu.memref_slice %arg4[%dma_wait3A_127, %dma_wait3A_128] : memref<4194304x16xf32, #tpu.memory_space<hbm>> -> memref<4194304x16xf32, #tpu.memory_space<hbm>>
      tpu.wait_indirect_dma semaphore(%arg18 : memref<!tpu.dma_semaphore, #tpu.memory_space<semaphore_mem>>) src(%dma_wait3A_129 : memref<4194304x16xf32, #tpu.memory_space<hbm>>) dst(%dma_wait3A_123 : memref<128x16xf32, #tpu.memory_space<vmem>>)
      %dma_wait3A_130 = arith.constant 2 : i32
      %dma_wait3A_131 = arith.constant 256 : i32
      %dma_wait3A_132 = arith.constant 0 : i32
      %dma_wait3A_133 = tpu.memref_slice %arg14[%dma_wait3A_131, %dma_wait3A_132] : memref<1024x16xf32, #tpu.memory_space<vmem>> -> memref<128x16xf32, #tpu.memory_space<vmem>>
      %dma_wait3A_134 = arith.constant 0 : i32
      %dma_wait3A_135 = tpu.memref_slice %arg13[%dma_wait3A_130, %dma_wait3A_134] : memref<8x128xi32, #tpu.memory_space<vmem>> -> memref<1x128xi32, #tpu.memory_space<vmem>>
      %dma_wait3A_136 = tpu.memref_squeeze %dma_wait3A_135 : memref<1x128xi32, #tpu.memory_space<vmem>> -> memref<128xi32, #tpu.memory_space<vmem>>
      %dma_wait3A_137 = arith.constant 0 : i32
      %dma_wait3A_138 = arith.constant 0 : i32
      %dma_wait3A_139 = tpu.memref_slice %arg4[%dma_wait3A_137, %dma_wait3A_138] : memref<4194304x16xf32, #tpu.memory_space<hbm>> -> memref<4194304x16xf32, #tpu.memory_space<hbm>>
      tpu.wait_indirect_dma semaphore(%arg18 : memref<!tpu.dma_semaphore, #tpu.memory_space<semaphore_mem>>) src(%dma_wait3A_139 : memref<4194304x16xf32, #tpu.memory_space<hbm>>) dst(%dma_wait3A_133 : memref<128x16xf32, #tpu.memory_space<vmem>>)
      %dma_wait3A_140 = arith.constant 3 : i32
      %dma_wait3A_141 = arith.constant 384 : i32
      %dma_wait3A_142 = arith.constant 0 : i32
      %dma_wait3A_143 = tpu.memref_slice %arg14[%dma_wait3A_141, %dma_wait3A_142] : memref<1024x16xf32, #tpu.memory_space<vmem>> -> memref<128x16xf32, #tpu.memory_space<vmem>>
      %dma_wait3A_144 = arith.constant 0 : i32
      %dma_wait3A_145 = tpu.memref_slice %arg13[%dma_wait3A_140, %dma_wait3A_144] : memref<8x128xi32, #tpu.memory_space<vmem>> -> memref<1x128xi32, #tpu.memory_space<vmem>>
      %dma_wait3A_146 = tpu.memref_squeeze %dma_wait3A_145 : memref<1x128xi32, #tpu.memory_space<vmem>> -> memref<128xi32, #tpu.memory_space<vmem>>
      %dma_wait3A_147 = arith.constant 0 : i32
      %dma_wait3A_148 = arith.constant 0 : i32
      %dma_wait3A_149 = tpu.memref_slice %arg4[%dma_wait3A_147, %dma_wait3A_148] : memref<4194304x16xf32, #tpu.memory_space<hbm>> -> memref<4194304x16xf32, #tpu.memory_space<hbm>>
      tpu.wait_indirect_dma semaphore(%arg18 : memref<!tpu.dma_semaphore, #tpu.memory_space<semaphore_mem>>) src(%dma_wait3A_149 : memref<4194304x16xf32, #tpu.memory_space<hbm>>) dst(%dma_wait3A_143 : memref<128x16xf32, #tpu.memory_space<vmem>>)
      %dma_wait3A_150 = arith.constant 4 : i32
      %dma_wait3A_151 = arith.constant 512 : i32
      %dma_wait3A_152 = arith.constant 0 : i32
      %dma_wait3A_153 = tpu.memref_slice %arg14[%dma_wait3A_151, %dma_wait3A_152] : memref<1024x16xf32, #tpu.memory_space<vmem>> -> memref<128x16xf32, #tpu.memory_space<vmem>>
      %dma_wait3A_154 = arith.constant 0 : i32
      %dma_wait3A_155 = tpu.memref_slice %arg13[%dma_wait3A_150, %dma_wait3A_154] : memref<8x128xi32, #tpu.memory_space<vmem>> -> memref<1x128xi32, #tpu.memory_space<vmem>>
      %dma_wait3A_156 = tpu.memref_squeeze %dma_wait3A_155 : memref<1x128xi32, #tpu.memory_space<vmem>> -> memref<128xi32, #tpu.memory_space<vmem>>
      %dma_wait3A_157 = arith.constant 0 : i32
      %dma_wait3A_158 = arith.constant 0 : i32
      %dma_wait3A_159 = tpu.memref_slice %arg4[%dma_wait3A_157, %dma_wait3A_158] : memref<4194304x16xf32, #tpu.memory_space<hbm>> -> memref<4194304x16xf32, #tpu.memory_space<hbm>>
      tpu.wait_indirect_dma semaphore(%arg18 : memref<!tpu.dma_semaphore, #tpu.memory_space<semaphore_mem>>) src(%dma_wait3A_159 : memref<4194304x16xf32, #tpu.memory_space<hbm>>) dst(%dma_wait3A_153 : memref<128x16xf32, #tpu.memory_space<vmem>>)
      %dma_wait3A_160 = arith.constant 5 : i32
      %dma_wait3A_161 = arith.constant 640 : i32
      %dma_wait3A_162 = arith.constant 0 : i32
      %dma_wait3A_163 = tpu.memref_slice %arg14[%dma_wait3A_161, %dma_wait3A_162] : memref<1024x16xf32, #tpu.memory_space<vmem>> -> memref<128x16xf32, #tpu.memory_space<vmem>>
      %dma_wait3A_164 = arith.constant 0 : i32
      %dma_wait3A_165 = tpu.memref_slice %arg13[%dma_wait3A_160, %dma_wait3A_164] : memref<8x128xi32, #tpu.memory_space<vmem>> -> memref<1x128xi32, #tpu.memory_space<vmem>>
      %dma_wait3A_166 = tpu.memref_squeeze %dma_wait3A_165 : memref<1x128xi32, #tpu.memory_space<vmem>> -> memref<128xi32, #tpu.memory_space<vmem>>
      %dma_wait3A_167 = arith.constant 0 : i32
      %dma_wait3A_168 = arith.constant 0 : i32
      %dma_wait3A_169 = tpu.memref_slice %arg4[%dma_wait3A_167, %dma_wait3A_168] : memref<4194304x16xf32, #tpu.memory_space<hbm>> -> memref<4194304x16xf32, #tpu.memory_space<hbm>>
      tpu.wait_indirect_dma semaphore(%arg18 : memref<!tpu.dma_semaphore, #tpu.memory_space<semaphore_mem>>) src(%dma_wait3A_169 : memref<4194304x16xf32, #tpu.memory_space<hbm>>) dst(%dma_wait3A_163 : memref<128x16xf32, #tpu.memory_space<vmem>>)
      %dma_wait3A_170 = arith.constant 6 : i32
      %dma_wait3A_171 = arith.constant 768 : i32
      %dma_wait3A_172 = arith.constant 0 : i32
      %dma_wait3A_173 = tpu.memref_slice %arg14[%dma_wait3A_171, %dma_wait3A_172] : memref<1024x16xf32, #tpu.memory_space<vmem>> -> memref<128x16xf32, #tpu.memory_space<vmem>>
      %dma_wait3A_174 = arith.constant 0 : i32
      %dma_wait3A_175 = tpu.memref_slice %arg13[%dma_wait3A_170, %dma_wait3A_174] : memref<8x128xi32, #tpu.memory_space<vmem>> -> memref<1x128xi32, #tpu.memory_space<vmem>>
      %dma_wait3A_176 = tpu.memref_squeeze %dma_wait3A_175 : memref<1x128xi32, #tpu.memory_space<vmem>> -> memref<128xi32, #tpu.memory_space<vmem>>
      %dma_wait3A_177 = arith.constant 0 : i32
      %dma_wait3A_178 = arith.constant 0 : i32
      %dma_wait3A_179 = tpu.memref_slice %arg4[%dma_wait3A_177, %dma_wait3A_178] : memref<4194304x16xf32, #tpu.memory_space<hbm>> -> memref<4194304x16xf32, #tpu.memory_space<hbm>>
      tpu.wait_indirect_dma semaphore(%arg18 : memref<!tpu.dma_semaphore, #tpu.memory_space<semaphore_mem>>) src(%dma_wait3A_179 : memref<4194304x16xf32, #tpu.memory_space<hbm>>) dst(%dma_wait3A_173 : memref<128x16xf32, #tpu.memory_space<vmem>>)
      %dma_wait3A_180 = arith.constant 7 : i32
      %dma_wait3A_181 = arith.constant 896 : i32
      %dma_wait3A_182 = arith.constant 0 : i32
      %dma_wait3A_183 = tpu.memref_slice %arg14[%dma_wait3A_181, %dma_wait3A_182] : memref<1024x16xf32, #tpu.memory_space<vmem>> -> memref<128x16xf32, #tpu.memory_space<vmem>>
      %dma_wait3A_184 = arith.constant 0 : i32
      %dma_wait3A_185 = tpu.memref_slice %arg13[%dma_wait3A_180, %dma_wait3A_184] : memref<8x128xi32, #tpu.memory_space<vmem>> -> memref<1x128xi32, #tpu.memory_space<vmem>>
      %dma_wait3A_186 = tpu.memref_squeeze %dma_wait3A_185 : memref<1x128xi32, #tpu.memory_space<vmem>> -> memref<128xi32, #tpu.memory_space<vmem>>
      %dma_wait3A_187 = arith.constant 0 : i32
      %dma_wait3A_188 = arith.constant 0 : i32
      %dma_wait3A_189 = tpu.memref_slice %arg4[%dma_wait3A_187, %dma_wait3A_188] : memref<4194304x16xf32, #tpu.memory_space<hbm>> -> memref<4194304x16xf32, #tpu.memory_space<hbm>>
      tpu.wait_indirect_dma semaphore(%arg18 : memref<!tpu.dma_semaphore, #tpu.memory_space<semaphore_mem>>) src(%dma_wait3A_189 : memref<4194304x16xf32, #tpu.memory_space<hbm>>) dst(%dma_wait3A_183 : memref<128x16xf32, #tpu.memory_space<vmem>>)
      %scan3A_190 = arith.constant 0 : i32
      %scan3A_191 = arith.constant 0 : i32
      %scan3A_192 = arith.constant 64 : i32
      %scan3A_193 = arith.addi %scan3A_191, %scan3A_192 : i32
      %scan3A_194 = arith.constant 1 : i32
      scf.for %scan3A_196 = %scan3A_191 to %scan3A_193 step %scan3A_194  : i32 {
        %mul3A_197 = arith.constant 16 : i32
        %mul3A_198 = arith.muli %scan3A_196, %mul3A_197 : i32
        %add3A_199 = arith.addi %mul3A_25, %mul3A_198 : i32
        %add3A_200 = vector.broadcast %add3A_199 : i32 to vector<16xi32>
        %add3A_201 = arith.addi %add3A_200, %iota3A : vector<16xi32>
        %mul3A_202 = arith.constant 16 : i32
        %mul3A_203 = arith.muli %scan3A_196, %mul3A_202 : i32
        %add3A_204 = vector.broadcast %mul3A_203 : i32 to vector<16xi32>
        %add3A_205 = arith.addi %add3A_204, %iota3A : vector<16xi32>
        %gather3A = tpu.vector_load_idx %arg8[%add3A_201] : memref<4096xi32, #tpu.memory_space<vmem>>[vector<16xi32>], vector<16xi32>,
        %gather3A_206 = tpu.vector_load_idx %arg9[%add3A_201] : memref<4096xi32, #tpu.memory_space<vmem>>[vector<16xi32>], vector<16xi32>,
        %gather3A_207 = tpu.vector_load_idx %arg10[%gather3A] : memref<4096xf32, #tpu.memory_space<vmem>>[vector<16xi32>], vector<16xf32>,
        %gather3A_208 = tpu.vector_load_idx %arg11[%gather3A_206] : memref<4096xf32, #tpu.memory_space<vmem>>[vector<16xi32>], vector<16xf32>,
        %add3A_209 = arith.addf %gather3A_207, %gather3A_208 : vector<16xf32>
        %and3A = arith.constant 3 : i32
        %and3A_210 = vector.broadcast %and3A : i32 to vector<16xi32>
        %and3A_211 = arith.andi %gather3A_206, %and3A_210 : vector<16xi32>
        %mul3A_212 = arith.constant 4 : i32
        %mul3A_213 = vector.broadcast %mul3A_212 : i32 to vector<16xi32>
        %mul3A_214 = arith.muli %and3A_211, %mul3A_213 : vector<16xi32>
        %add3A_215 = arith.constant 0 : i32
        %add3A_216 = vector.broadcast %add3A_215 : i32 to vector<16xi32>
        %add3A_217 = arith.addi %mul3A_214, %add3A_216 : vector<16xi32>
        %gather3A_218 = tpu.vector_load_idx %arg14[%add3A_205, %add3A_217] : memref<1024x16xf32, #tpu.memory_space<vmem>>[vector<16xi32>, vector<16xi32>], vector<16xf32>,
        %get3A = arith.constant 0 : index
        %get3A_219 = tpu.vector_load %arg12[%get3A] {strides = array<i32>} : memref<64xf32, #tpu.memory_space<vmem>>, vector<16xf32>,
        %mul3A_220 = arith.mulf %gather3A_218, %get3A_219 : vector<16xf32>
        %add3A_221 = arith.addf %add3A_209, %mul3A_220 : vector<16xf32>
        %add3A_222 = arith.constant 1 : i32
        %add3A_223 = vector.broadcast %add3A_222 : i32 to vector<16xi32>
        %add3A_224 = arith.addi %mul3A_214, %add3A_223 : vector<16xi32>
        %gather3A_225 = tpu.vector_load_idx %arg14[%add3A_205, %add3A_224] : memref<1024x16xf32, #tpu.memory_space<vmem>>[vector<16xi32>, vector<16xi32>], vector<16xf32>,
        %get3A_226 = arith.constant 16 : index
        %get3A_227 = tpu.vector_load %arg12[%get3A_226] {strides = array<i32>} : memref<64xf32, #tpu.memory_space<vmem>>, vector<16xf32>,
        %mul3A_228 = arith.mulf %gather3A_225, %get3A_227 : vector<16xf32>
        %add3A_229 = arith.addf %add3A_221, %mul3A_228 : vector<16xf32>
        %add3A_230 = arith.constant 2 : i32
        %add3A_231 = vector.broadcast %add3A_230 : i32 to vector<16xi32>
        %add3A_232 = arith.addi %mul3A_214, %add3A_231 : vector<16xi32>
        %gather3A_233 = tpu.vector_load_idx %arg14[%add3A_205, %add3A_232] : memref<1024x16xf32, #tpu.memory_space<vmem>>[vector<16xi32>, vector<16xi32>], vector<16xf32>,
        %get3A_234 = arith.constant 32 : index
        %get3A_235 = tpu.vector_load %arg12[%get3A_234] {strides = array<i32>} : memref<64xf32, #tpu.memory_space<vmem>>, vector<16xf32>,
        %mul3A_236 = arith.mulf %gather3A_233, %get3A_235 : vector<16xf32>
        %add3A_237 = arith.addf %add3A_229, %mul3A_236 : vector<16xf32>
        %add3A_238 = arith.constant 3 : i32
        %add3A_239 = vector.broadcast %add3A_238 : i32 to vector<16xi32>
        %add3A_240 = arith.addi %mul3A_214, %add3A_239 : vector<16xi32>
        %gather3A_241 = tpu.vector_load_idx %arg14[%add3A_205, %add3A_240] : memref<1024x16xf32, #tpu.memory_space<vmem>>[vector<16xi32>, vector<16xi32>], vector<16xf32>,
        %get3A_242 = arith.constant 48 : index
        %get3A_243 = tpu.vector_load %arg12[%get3A_242] {strides = array<i32>} : memref<64xf32, #tpu.memory_space<vmem>>, vector<16xf32>,
        %mul3A_244 = arith.mulf %gather3A_241, %get3A_243 : vector<16xf32>
        %add3A_245 = arith.addf %add3A_237, %mul3A_244 : vector<16xf32>
        %jit3A = arith.constant -2.000000e+00 : f32
        %jit3A_246 = arith.constant 2.000000e+00 : f32
        %max3A = vector.broadcast %jit3A : f32 to vector<16xf32>
        %max3A_247 = arith.maximumf %max3A, %add3A_245 : vector<16xf32>
        %min3A = vector.broadcast %jit3A_246 : f32 to vector<16xf32>
        %min3A_248 = arith.minimumf %min3A, %max3A_247 : vector<16xf32>
        %exp3A = math.exp %min3A_248 : vector<16xf32>
        tpu.vector_store_idx %arg15[%add3A_201], %exp3A : memref<4096xf32, #tpu.memory_space<vmem>>[vector<16xi32>], vector<16xf32>,
        tpu.vector_store_idx %arg16[%iota3A, %gather3A], %exp3A {add = true} : memref<16x4096xf32, #tpu.memory_space<vmem>>[vector<16xi32>, vector<16xi32>], vector<16xf32>,
      }
      %scan3A_195 = arith.constant 64 : i32
    }
    %scan3A_16 = arith.constant 4 : i32
    %scan3A_17 = arith.constant 0 : i32
    %scan3A_18 = arith.constant 0 : i32
    %scan3A_19 = arith.constant 256 : i32
    %scan3A_20 = arith.addi %scan3A_18, %scan3A_19 : i32
    %scan3A_21 = arith.constant 1 : i32
    scf.for %scan3A_23 = %scan3A_18 to %scan3A_20 step %scan3A_21  : i32 {
      %mul3A_24 = arith.constant 16 : i32
      %mul3A_25 = arith.muli %scan3A_23, %mul3A_24 : i32
      %add3A_26 = vector.broadcast %mul3A_25 : i32 to vector<16xi32>
      %add3A_27 = arith.addi %add3A_26, %iota3A : vector<16xi32>
      %broadcast_in_dim3A_28 = arith.constant 0.000000e+00 : f32
      %broadcast_in_dim3A_29 = vector.broadcast %broadcast_in_dim3A_28 : f32 to vector<16xf32>
      %scan3A_30 = arith.constant 0 : i32
      %scan3A_31 = arith.constant 16 : i32
      %scan3A_32 = arith.addi %scan3A_30, %scan3A_31 : i32
      %scan3A_33 = arith.constant 1 : i32
      %scan3A_34 = scf.for %scan3A_36 = %scan3A_30 to %scan3A_32 step %scan3A_33 iter_args(%scan3A_37 = %broadcast_in_dim3A_29) -> (vector<16xf32>)  : i32 {
        %broadcast_in_dim3A_38 = vector.broadcast %scan3A_36 : i32 to vector<16xi32>
        %gather3A = tpu.vector_load_idx %arg16[%broadcast_in_dim3A_38, %add3A_27] : memref<16x4096xf32, #tpu.memory_space<vmem>>[vector<16xi32>, vector<16xi32>], vector<16xf32>,
        %add3A_39 = arith.addf %scan3A_37, %gather3A : vector<16xf32>
        scf.yield %add3A_39 : vector<16xf32>
      }
      %scan3A_35 = arith.constant 16 : i32
      tpu.vector_store_idx %arg17[%add3A_27], %scan3A_34 : memref<4096xf32, #tpu.memory_space<vmem>>[vector<16xi32>], vector<16xf32>,
    }
    %scan3A_22 = arith.constant 256 : i32
    "tpu.region"() ({
      %run_scoped3A_23 = tpu.sem_alloc : memref<!tpu.dma_semaphore, #tpu.memory_space<semaphore_mem>>
      %dma_start3A = tpu.memref_slice %arg6[%mul3A_2] : memref<131072xf32, #tpu.memory_space<hbm>> -> memref<4096xf32, #tpu.memory_space<hbm>>
      %dma_start3A_24 = tpu.memref_slice %arg6[%mul3A_2] : memref<131072xf32, #tpu.memory_space<hbm>> -> memref<4096xf32, #tpu.memory_space<hbm>>
      tpu.enqueue_dma source(%arg15 : memref<4096xf32, #tpu.memory_space<vmem>>) target(%dma_start3A_24 : memref<4096xf32, #tpu.memory_space<hbm>>) target_semaphore(%run_scoped3A_23 : memref<!tpu.dma_semaphore, #tpu.memory_space<semaphore_mem>>)
      %dma_wait3A = tpu.memref_slice %arg6[%mul3A_2] : memref<131072xf32, #tpu.memory_space<hbm>> -> memref<4096xf32, #tpu.memory_space<hbm>>
      %dma_wait3A_25 = tpu.memref_slice %arg6[%mul3A_2] : memref<131072xf32, #tpu.memory_space<hbm>> -> memref<4096xf32, #tpu.memory_space<hbm>>
      tpu.wait_dma2 semaphore(%run_scoped3A_23 : memref<!tpu.dma_semaphore, #tpu.memory_space<semaphore_mem>>) src(%arg15 : memref<4096xf32, #tpu.memory_space<vmem>>) dst(%dma_wait3A_25 : memref<4096xf32, #tpu.memory_space<hbm>>)
      tpu.yield
    }) : () -> ()
    "tpu.region"() ({
      %run_scoped3A_23 = tpu.sem_alloc : memref<!tpu.dma_semaphore, #tpu.memory_space<semaphore_mem>>
      %dma_start3A = arith.constant 0 : i32
      %dma_start3A_24 = tpu.memref_slice %arg7[%add3A, %dma_start3A] : memref<32x4096xf32, #tpu.memory_space<hbm>> -> memref<1x4096xf32, #tpu.memory_space<hbm>>
      %dma_start3A_25 = tpu.memref_squeeze %dma_start3A_24 : memref<1x4096xf32, #tpu.memory_space<hbm>> -> memref<4096xf32, #tpu.memory_space<hbm>>
      %dma_start3A_26 = arith.constant 0 : i32
      %dma_start3A_27 = tpu.memref_slice %arg7[%add3A, %dma_start3A_26] : memref<32x4096xf32, #tpu.memory_space<hbm>> -> memref<1x4096xf32, #tpu.memory_space<hbm>>
      %dma_start3A_28 = tpu.memref_squeeze %dma_start3A_27 : memref<1x4096xf32, #tpu.memory_space<hbm>> -> memref<4096xf32, #tpu.memory_space<hbm>>
      tpu.enqueue_dma source(%arg17 : memref<4096xf32, #tpu.memory_space<vmem>>) target(%dma_start3A_28 : memref<4096xf32, #tpu.memory_space<hbm>>) target_semaphore(%run_scoped3A_23 : memref<!tpu.dma_semaphore, #tpu.memory_space<semaphore_mem>>)
      %dma_wait3A = arith.constant 0 : i32
      %dma_wait3A_29 = tpu.memref_slice %arg7[%add3A, %dma_wait3A] : memref<32x4096xf32, #tpu.memory_space<hbm>> -> memref<1x4096xf32, #tpu.memory_space<hbm>>
      %dma_wait3A_30 = tpu.memref_squeeze %dma_wait3A_29 : memref<1x4096xf32, #tpu.memory_space<hbm>> -> memref<4096xf32, #tpu.memory_space<hbm>>
      %dma_wait3A_31 = arith.constant 0 : i32
      %dma_wait3A_32 = tpu.memref_slice %arg7[%add3A, %dma_wait3A_31] : memref<32x4096xf32, #tpu.memory_space<hbm>> -> memref<1x4096xf32, #tpu.memory_space<hbm>>
      %dma_wait3A_33 = tpu.memref_squeeze %dma_wait3A_32 : memref<1x4096xf32, #tpu.memory_space<hbm>> -> memref<4096xf32, #tpu.memory_space<hbm>>
      tpu.wait_dma2 semaphore(%run_scoped3A_23 : memref<!tpu.dma_semaphore, #tpu.memory_space<semaphore_mem>>) src(%arg17 : memref<4096xf32, #tpu.memory_space<vmem>>) dst(%dma_wait3A_33 : memref<4096xf32, #tpu.memory_space<hbm>>)
      tpu.yield
    }) : () -> ()
    return
  }
}

module attributes {stable_mosaic.version = 14 : i64} {
  func.func @body(%arg0: memref<4096x128xf32, #tpu.memory_space<vmem>>, %arg1: memref<128x128xf32, #tpu.memory_space<vmem>>, %arg2: memref<128x128xf32, #tpu.memory_space<vmem>>, %arg3: memref<260x1xf32, #tpu.memory_space<vmem>>, %arg4: memref<4x4xf32, #tpu.memory_space<vmem>>, %arg5: memref<4096x128xf32, #tpu.memory_space<vmem>>, %arg6: memref<3x4096xf32, #tpu.memory_space<vmem>>) attributes {dimension_semantics = [], scalar_prefetch = 0 : i64, scratch_operands = 0 : i64, tpu.core_type = #tpu.core_type<tc>} {
    %get3A = arith.constant 0 : index
    %get3A_0 = arith.constant 0 : index
    %get3A_1 = vector.load %arg0[%get3A, %get3A_0] : memref<4096x128xf32, #tpu.memory_space<vmem>>, vector<4096x128xf32>
    %get3A_2 = arith.constant 0 : index
    %get3A_3 = arith.constant 0 : index
    %get3A_4 = vector.load %arg1[%get3A_2, %get3A_3] : memref<128x128xf32, #tpu.memory_space<vmem>>, vector<128x128xf32>
    %dot_general3A = arith.constant dense<0.000000e+00> : vector<4096x128xf32>
    %dot_general3A_5 = tpu.matmul %get3A_1, %get3A_4, %dot_general3A {dimension_numbers = #tpu.dot_dimension_numbers<[1], [0], [0], [1], [0, 0, 1, 1], [], []>, transpose_lhs_hint = false} : vector<4096x128xf32>, vector<128x128xf32>, vector<4096x128xf32> -> vector<4096x128xf32>
    %get3A_6 = arith.constant 0 : index
    %get3A_7 = arith.constant 0 : index
    %get3A_8 = vector.load %arg2[%get3A_6, %get3A_7] : memref<128x128xf32, #tpu.memory_space<vmem>>, vector<128x128xf32>
    %dot_general3A_9 = arith.constant dense<0.000000e+00> : vector<4096x128xf32>
    %dot_general3A_10 = tpu.matmul %get3A_1, %get3A_8, %dot_general3A_9 {dimension_numbers = #tpu.dot_dimension_numbers<[1], [0], [0], [1], [0, 0, 1, 1], [], []>, transpose_lhs_hint = false} : vector<4096x128xf32>, vector<128x128xf32>, vector<4096x128xf32> -> vector<4096x128xf32>
    %swap3A = arith.constant 0 : index
    %swap3A_11 = arith.constant 0 : index
    %swap3A_12 = vector.load %arg5[%swap3A, %swap3A_11] : memref<4096x128xf32, #tpu.memory_space<vmem>>, vector<4096x128xf32>
    tpu.vector_store %arg5[%swap3A, %swap3A_11], %dot_general3A_10 {strides = array<i32>} : memref<4096x128xf32, #tpu.memory_space<vmem>>, vector<4096x128xf32>,
    %get3A_13 = arith.constant 0 : index
    %get3A_14 = arith.constant 0 : index
    %get3A_15 = vector.load %arg3[%get3A_13, %get3A_14] : memref<260x1xf32, #tpu.memory_space<vmem>>, vector<260x1xf32>
    %ge3A = arith.constant 0.000000e+00 : f32
    %ge3A_16 = vector.broadcast %ge3A : f32 to vector<4096x128xf32>
    %ge3A_17 = arith.cmpf oge, %dot_general3A_5, %ge3A_16 : vector<4096x128xf32>
    %mul3A = arith.constant 2.000000e-01 : f32
    %mul3A_18 = vector.broadcast %mul3A : f32 to vector<4096x128xf32>
    %mul3A_19 = arith.mulf %mul3A_18, %dot_general3A_5 : vector<4096x128xf32>
    %select_n3A = arith.select %ge3A_17, %dot_general3A_5, %mul3A_19 : vector<4096x128xi1>, vector<4096x128xf32>
    %slice3A = vector.extract_strided_slice %get3A_15 {offsets = [0, 0], sizes = [128, 1], strides = [1, 1]} : vector<260x1xf32> to vector<128x1xf32>
    %dot_general3A_20 = arith.constant dense<0.000000e+00> : vector<4096x1xf32>
    %dot_general3A_21 = tpu.matmul %select_n3A, %slice3A, %dot_general3A_20 {dimension_numbers = #tpu.dot_dimension_numbers<[1], [0], [0], [1], [0, 0, 1, 1], [], []>, transpose_lhs_hint = false} : vector<4096x128xf32>, vector<128x1xf32>, vector<4096x1xf32> -> vector<4096x1xf32>
    %ge3A_22 = arith.constant 0.000000e+00 : f32
    %ge3A_23 = vector.broadcast %ge3A_22 : f32 to vector<4096x128xf32>
    %ge3A_24 = arith.cmpf oge, %dot_general3A_10, %ge3A_23 : vector<4096x128xf32>
    %mul3A_25 = arith.constant 2.000000e-01 : f32
    %mul3A_26 = vector.broadcast %mul3A_25 : f32 to vector<4096x128xf32>
    %mul3A_27 = arith.mulf %mul3A_26, %dot_general3A_10 : vector<4096x128xf32>
    %select_n3A_28 = arith.select %ge3A_24, %dot_general3A_10, %mul3A_27 : vector<4096x128xi1>, vector<4096x128xf32>
    %slice3A_29 = vector.extract_strided_slice %get3A_15 {offsets = [128, 0], sizes = [128, 1], strides = [1, 1]} : vector<260x1xf32> to vector<128x1xf32>
    %dot_general3A_30 = arith.constant dense<0.000000e+00> : vector<4096x1xf32>
    %dot_general3A_31 = tpu.matmul %select_n3A_28, %slice3A_29, %dot_general3A_30 {dimension_numbers = #tpu.dot_dimension_numbers<[1], [0], [0], [1], [0, 0, 1, 1], [], []>, transpose_lhs_hint = false} : vector<4096x128xf32>, vector<128x1xf32>, vector<4096x1xf32> -> vector<4096x1xf32>
    %get3A_32 = arith.constant 0 : index
    %get3A_33 = arith.constant 0 : index
    %get3A_34 = vector.load %arg4[%get3A_32, %get3A_33] : memref<4x4xf32, #tpu.memory_space<vmem>>, vector<4x4xf32>
    %slice3A_35 = vector.extract_strided_slice %get3A_15 {offsets = [256, 0], sizes = [4, 1], strides = [1, 1]} : vector<260x1xf32> to vector<4x1xf32>
    %dot_general3A_36 = arith.constant dense<0.000000e+00> : vector<4x1xf32>
    %dot_general3A_37 = tpu.matmul %get3A_34, %slice3A_35, %dot_general3A_36 {dimension_numbers = #tpu.dot_dimension_numbers<[1], [0], [0], [1], [0, 0, 1, 1], [], []>, transpose_lhs_hint = false} : vector<4x4xf32>, vector<4x1xf32>, vector<4x1xf32> -> vector<4x1xf32>
    %squeeze3A = vector.shape_cast %dot_general3A_21 : vector<4096x1xf32> to vector<4096xf32>
    %swap3A_38 = arith.constant 0 : index
    %swap3A_39 = arith.constant 0 : index
    %swap3A_40 = vector.load %arg6[%swap3A_38, %swap3A_39] : memref<3x4096xf32, #tpu.memory_space<vmem>>, vector<1x4096xf32>
    %swap3A_41 = vector.shape_cast %swap3A_40 : vector<1x4096xf32> to vector<4096xf32>
    %swap3A_42 = vector.shape_cast %squeeze3A : vector<4096xf32> to vector<1x4096xf32>
    tpu.vector_store %arg6[%swap3A_38, %swap3A_39], %swap3A_42 {strides = array<i32>} : memref<3x4096xf32, #tpu.memory_space<vmem>>, vector<1x4096xf32>,
    %squeeze3A_43 = vector.shape_cast %dot_general3A_31 : vector<4096x1xf32> to vector<4096xf32>
    %swap3A_44 = arith.constant 1 : index
    %swap3A_45 = arith.constant 0 : index
    %swap3A_46 = vector.load %arg6[%swap3A_44, %swap3A_45] : memref<3x4096xf32, #tpu.memory_space<vmem>>, vector<1x4096xf32>
    %swap3A_47 = vector.shape_cast %swap3A_46 : vector<1x4096xf32> to vector<4096xf32>
    %swap3A_48 = vector.shape_cast %squeeze3A_43 : vector<4096xf32> to vector<1x4096xf32>
    tpu.vector_store %arg6[%swap3A_44, %swap3A_45], %swap3A_48 {strides = array<i32>} : memref<3x4096xf32, #tpu.memory_space<vmem>>, vector<1x4096xf32>,
    %slice3A_49 = vector.extract_strided_slice %dot_general3A_37 {offsets = [0, 0], sizes = [1, 1], strides = [1, 1]} : vector<4x1xf32> to vector<1x1xf32>
    %squeeze3A_50 = vector.shape_cast %slice3A_49 : vector<1x1xf32> to vector<1xf32>
    %broadcast_in_dim3A = vector.shape_cast %squeeze3A_50 : vector<1xf32> to vector<1xf32>
    %broadcast_in_dim3A_51 = vector.broadcast %broadcast_in_dim3A : vector<1xf32> to vector<16xf32>
    %slice3A_52 = vector.extract_strided_slice %dot_general3A_37 {offsets = [1, 0], sizes = [1, 1], strides = [1, 1]} : vector<4x1xf32> to vector<1x1xf32>
    %squeeze3A_53 = vector.shape_cast %slice3A_52 : vector<1x1xf32> to vector<1xf32>
    %broadcast_in_dim3A_54 = vector.shape_cast %squeeze3A_53 : vector<1xf32> to vector<1xf32>
    %broadcast_in_dim3A_55 = vector.broadcast %broadcast_in_dim3A_54 : vector<1xf32> to vector<16xf32>
    %slice3A_56 = vector.extract_strided_slice %dot_general3A_37 {offsets = [2, 0], sizes = [1, 1], strides = [1, 1]} : vector<4x1xf32> to vector<1x1xf32>
    %squeeze3A_57 = vector.shape_cast %slice3A_56 : vector<1x1xf32> to vector<1xf32>
    %broadcast_in_dim3A_58 = vector.shape_cast %squeeze3A_57 : vector<1xf32> to vector<1xf32>
    %broadcast_in_dim3A_59 = vector.broadcast %broadcast_in_dim3A_58 : vector<1xf32> to vector<16xf32>
    %slice3A_60 = vector.extract_strided_slice %dot_general3A_37 {offsets = [3, 0], sizes = [1, 1], strides = [1, 1]} : vector<4x1xf32> to vector<1x1xf32>
    %squeeze3A_61 = vector.shape_cast %slice3A_60 : vector<1x1xf32> to vector<1xf32>
    %broadcast_in_dim3A_62 = vector.shape_cast %squeeze3A_61 : vector<1xf32> to vector<1xf32>
    %broadcast_in_dim3A_63 = vector.broadcast %broadcast_in_dim3A_62 : vector<1xf32> to vector<16xf32>
    %broadcast_in_dim3A_64 = arith.constant 0.000000e+00 : f32
    %broadcast_in_dim3A_65 = vector.broadcast %broadcast_in_dim3A_64 : f32 to vector<4032xf32>
    %concatenate3A = tpu.concatenate %broadcast_in_dim3A_51, %broadcast_in_dim3A_55, %broadcast_in_dim3A_59, %broadcast_in_dim3A_63, %broadcast_in_dim3A_65 in 0 : vector<16xf32>, vector<16xf32>, vector<16xf32>, vector<16xf32>, vector<4032xf32> -> vector<4096xf32>
    %swap3A_66 = arith.constant 2 : index
    %swap3A_67 = arith.constant 0 : index
    %swap3A_68 = vector.load %arg6[%swap3A_66, %swap3A_67] : memref<3x4096xf32, #tpu.memory_space<vmem>>, vector<1x4096xf32>
    %swap3A_69 = vector.shape_cast %swap3A_68 : vector<1x4096xf32> to vector<4096xf32>
    %swap3A_70 = vector.shape_cast %concatenate3A : vector<4096xf32> to vector<1x4096xf32>
    tpu.vector_store %arg6[%swap3A_66, %swap3A_67], %swap3A_70 {strides = array<i32>} : memref<3x4096xf32, #tpu.memory_space<vmem>>, vector<1x4096xf32>,
    return
  }
}

module attributes {stable_mosaic.version = 14 : i64} {
  func.func @body(%arg0: memref<4x4096x128xf32, #tpu.memory_space<vmem>>, %arg1: memref<4096x32xf32, #tpu.memory_space<vmem>>, %arg2: memref<4096x128xf32, #tpu.memory_space<vmem>>) attributes {dimension_semantics = [], scalar_prefetch = 0 : i64, scratch_operands = 0 : i64, tpu.core_type = #tpu.core_type<tc>} {
    %get3A = arith.constant 0 : index
    %get3A_0 = arith.constant 0 : index
    %get3A_1 = arith.constant 0 : index
    %get3A_2 = vector.load %arg0[%get3A, %get3A_0, %get3A_1] : memref<4x4096x128xf32, #tpu.memory_space<vmem>>, vector<1x4096x128xf32>
    %get3A_3 = vector.shape_cast %get3A_2 : vector<1x4096x128xf32> to vector<4096x128xf32>
    %get3A_4 = arith.constant 1 : index
    %get3A_5 = arith.constant 0 : index
    %get3A_6 = arith.constant 0 : index
    %get3A_7 = vector.load %arg0[%get3A_4, %get3A_5, %get3A_6] : memref<4x4096x128xf32, #tpu.memory_space<vmem>>, vector<1x4096x128xf32>
    %get3A_8 = vector.shape_cast %get3A_7 : vector<1x4096x128xf32> to vector<4096x128xf32>
    %add3A = arith.addf %get3A_3, %get3A_8 : vector<4096x128xf32>
    %get3A_9 = arith.constant 2 : index
    %get3A_10 = arith.constant 0 : index
    %get3A_11 = arith.constant 0 : index
    %get3A_12 = vector.load %arg0[%get3A_9, %get3A_10, %get3A_11] : memref<4x4096x128xf32, #tpu.memory_space<vmem>>, vector<1x4096x128xf32>
    %get3A_13 = vector.shape_cast %get3A_12 : vector<1x4096x128xf32> to vector<4096x128xf32>
    %add3A_14 = arith.addf %add3A, %get3A_13 : vector<4096x128xf32>
    %get3A_15 = arith.constant 3 : index
    %get3A_16 = arith.constant 0 : index
    %get3A_17 = arith.constant 0 : index
    %get3A_18 = vector.load %arg0[%get3A_15, %get3A_16, %get3A_17] : memref<4x4096x128xf32, #tpu.memory_space<vmem>>, vector<1x4096x128xf32>
    %get3A_19 = vector.shape_cast %get3A_18 : vector<1x4096x128xf32> to vector<4096x128xf32>
    %add3A_20 = arith.addf %add3A_14, %get3A_19 : vector<4096x128xf32>
    %get3A_21 = arith.constant 0 : index
    %get3A_22 = arith.constant 0 : index
    %get3A_23 = vector.load %arg1[%get3A_21, %get3A_22] : memref<4096x32xf32, #tpu.memory_space<vmem>>, vector<4096x32xf32>
    %broadcast_in_dim3A = arith.constant 1.000000e+00 : f32
    %broadcast_in_dim3A_24 = vector.broadcast %broadcast_in_dim3A : f32 to vector<32x1xf32>
    %dot_general3A = arith.constant dense<0.000000e+00> : vector<4096x1xf32>
    %dot_general3A_25 = tpu.matmul %get3A_23, %broadcast_in_dim3A_24, %dot_general3A {dimension_numbers = #tpu.dot_dimension_numbers<[1], [0], [0], [1], [0, 0, 1, 1], [], []>, transpose_lhs_hint = false} : vector<4096x32xf32>, vector<32x1xf32>, vector<4096x1xf32> -> vector<4096x1xf32>
    %gt3A = arith.constant 0.000000e+00 : f32
    %gt3A_26 = vector.broadcast %gt3A : f32 to vector<4096x1xf32>
    %gt3A_27 = arith.cmpf ogt, %dot_general3A_25, %gt3A_26 : vector<4096x1xf32>
    %max3A = arith.constant 1.000000e-30 : f32
    %max3A_28 = vector.broadcast %max3A : f32 to vector<4096x1xf32>
    %max3A_29 = arith.maximumf %dot_general3A_25, %max3A_28 : vector<4096x1xf32>
    %div3A = arith.constant 1.000000e+00 : f32
    %div3A_30 = vector.broadcast %div3A : f32 to vector<4096x1xf32>
    %div3A_31 = arith.divf %div3A_30, %max3A_29 : vector<4096x1xf32>
    %jit3A = arith.constant 0.000000e+00 : f32
    %broadcast_in_dim3A_32 = vector.broadcast %jit3A : f32 to vector<4096x1xf32>
    %select_n3A = arith.select %gt3A_27, %div3A_31, %broadcast_in_dim3A_32 : vector<4096x1xi1>, vector<4096x1xf32>
    %mul3A = vector.broadcast %select_n3A : vector<4096x1xf32> to vector<4096x128xf32>
    %mul3A_33 = arith.mulf %add3A_20, %mul3A : vector<4096x128xf32>
    %swap3A = arith.constant 0 : index
    %swap3A_34 = arith.constant 0 : index
    %swap3A_35 = vector.load %arg2[%swap3A, %swap3A_34] : memref<4096x128xf32, #tpu.memory_space<vmem>>, vector<4096x128xf32>
    tpu.vector_store %arg2[%swap3A, %swap3A_34], %mul3A_33 {strides = array<i32>} : memref<4096x128xf32, #tpu.memory_space<vmem>>, vector<4096x128xf32>,
    return
  }
}

</mosaic_0001>

<sc_bundles>
// kernel: kernel.6.cloned.1.call-start
scs
__scs_entry_jumppad:
0x0: {  	(pc) =	sbr.rel $0x88, $3  }
0x1: {  	(tag) =	ssettag $0x0;
	lr =	simm.s32 $0x1  }
0x2: {  	[smem:$0x3F9A] =	sst lr;
	_ =	strace $0xD0000000  }
0x3: {  	_ = 	snop  }
0x4: {  	_ = 	snop  }
0x5: {  	_ = 	snop  }
0x6: {  	_ = 	snop  }
0x7: {  	_ = 	snop  }
__scs_overlays_trampoline_lowered:
0x8: {  	[smem:$0x3FA9] =	sst s0  }
0x9: {  	[smem:$0x3FAA] =	sst s1  }
0xa: {  	[smem:$0x3FAB] =	sst s2  }
0xb: {  	[smem:$0x3FAC] =	sst s3  }
0xc: {  	[smem:$0x3FAD] =	sst s4  }
0xd: {  	[smem:$0x3FAE] =	sst s5  }
0xe: {  	[smem:$0x3FAF] =	sst s6  }
0xf: {  	[smem:$0x3FB0] =	sst s7  }
0x10: {  	[smem:$0x3FB1] =	sst s8  }
0x11: {  	[smem:$0x3FB2] =	sst s9;
	s0 =	simm.s32 @!p0 $0x0  }
0x12: {  	s1 =	sld [smem:$0x3F98];
	s0 =	simm.s32 @p0 $0x1  }
0x13: {  	[smem:$0x3FB3] =	sst s0;
	s0 =	simm.s32 @!p1 $0x0  }
0x14: {  	s2 =	sld [smem:$0x3F97];
	s0 =	simm.s32 @p1 $0x1  }
0x15: {  	[smem:$0x3FB4] =	sst s0;
	s0 =	simm.s32 @!p2 $0x0  }
0x16: {  	s3 =	sld [smem:$0x3FDB];
	s0 =	simm.s32 @p2 $0x1  }
0x17: {  	s4 =	simm.s32 $0x1BF5;
	[smem:$0x3FB6] =	sst s0  }
0x18: {  	s0 =	sld [smem:$0x3F99];
	_ =	swait.ge [sflag:s4], $0x0  }
0x19: {  	s7 =	sld [smem:$0x3F9A]  }
0x1a: {  	s8 =	sadd.s32 $0xFFFFE003, lr  }
0x1b: {  	s9 =	sadd.s32 $0xFFFFFEF7, lr;
	s5 =	simm.s32 $0xFFFFFFFF;
	p2 =	slt.u32 s8, $0xFFFFF086  }
0x1c: {  	p1 =	slt.u32 s9, $0xF7A;
	s5 =	simm.s32 @!p2 $0x0  }
0x1d: {  	s5 =	simm.s32 @p1 $0x1;
	p0 =	seq.s32 s7, s2  }
0x1e: {  	s7 =	smul.u32 @!p0 $0xF7A, s2;
	p2 =	seq.s32 @!p0 s5, $0x0  }
0x1f: {  	s9 =	smul.u32 $0xF7A, s1;
	s8 =	simm.s32 @!p0 $0x1BF5;
	p2 =	por !p2, p0  }
0x20: {  	[sflag:s8] =	ssyncset.s32 @!p0 $0xFFFFF086;
	s6 =	sadd.s32 @!p0 s3, s7;
	s7 =	simm.s32 @!p0 $0x108  }
0x21: {  	s3 =	sadd.s32 s3, s9;
	s6 =	sadd.s32 @!p0 $0x88, s6;
	s7 =	simm.s32 @p2 $0x1082  }
0x22: {  	[simem:s7], [sflag:s8] =	dma.local @!p0 [hbm:s6], $0xF7A  }
0x23: {  	s9 =	sor.u32 $0xD0000000, s2;
	s6 =	simm.s32 $0x108;
	_ =	swait.ge @!p0 [sflag:s8], $0x0  }
0x24: {  	s3 =	sadd.s32 $0x88, s3;
	s6 =	simm.s32 @!p1 $0x1082;
	[sflag:s4] =	ssyncset.s32 $0xFFFFF086  }
0x25: {  	[simem:s6], [sflag:s4] =	dma.local [hbm:s3], $0xF7A  }
0x26: {  	[smem:$0x3F9A] =	sst s1;
	(tag) =	ssettag s2;
	_ =	strace s9  }
0x27: {  	s1 =	sld [smem:$0x3FAA]  }
0x28: {  	s2 =	sld [smem:$0x3FAB]  }
0x29: {  	s4 =	sld [smem:$0x3FAD]  }
0x2a: {  	p0 =	seq.s32 s5, $0x0;
	s5 =	sld [smem:$0x3FAE]  }
0x2b: {  	s6 =	sld [smem:$0x3FAF]  }
0x2c: {  	s7 =	sld [smem:$0x3FB0]  }
0x2d: {  	s3 =	simm.s32 $0x108;
	s8 =	sld [smem:$0x3FB1]  }
0x2e: {  	s3 =	simm.s32 @!p0 $0x1082;
	s9 =	sld [smem:$0x3FB2]  }
0x2f: {  	lr =	sadd.s32 s0, s3;
	s0 =	sld [smem:$0x3FA9]  }
0x30: {  	s3 =	sld [smem:$0x3FAC]  }
0x31: {  	[smem:$0x3FB5] =	sst s10  }
0x32: {  	s10 =	sld [smem:$0x3FB3];
	_ =	sdelay $0x3  }
0x33: {  	p0 =	seq.s32 s10, $0x1;
	s10 =	sld [smem:$0x3FB5];
	_ =	sdelay $0x3  }
0x34: {  	[smem:$0x3FB5] =	sst s10  }
0x35: {  	s10 =	sld [smem:$0x3FB4];
	_ =	sdelay $0x3  }
0x36: {  	p1 =	seq.s32 s10, $0x1;
	s10 =	sld [smem:$0x3FB5];
	_ =	sdelay $0x3  }
0x37: {  	[smem:$0x3FB5] =	sst s10  }
0x38: {  	s10 =	sld [smem:$0x3FB6]  }
0x39: {  	_ = 	snop;
	(pc) =	sbr.ind lr, $3  }
0x3a: {  	_ = 	snop  }
0x3b: {  	_ = 	snop  }
0x3c: {  	p2 =	seq.s32 s10, $0x1;
	s10 =	sld [smem:$0x3FB5]  }
0x3d: {  	_ =	shalt  }
0x3e: {  	_ =	shalt  }
0x3f: {  	_ =	shalt  }
0x40: {  	_ =	shalt  }
0x41: {  	_ =	shalt  }
0x42: {  	_ =	shalt  }
0x43: {  	_ =	shalt  }
0x44: {  	_ =	shalt  }
0x45: {  	_ =	shalt  }
0x46: {  	_ =	shalt  }
0x47: {  	_ =	shalt  }
0x48: {  	_ =	shalt  }
0x49: {  	_ =	shalt  }
0x4a: {  	_ =	shalt  }
0x4b: {  	_ =	shalt  }
0x4c: {  	_ =	shalt  }
0x4d: {  	_ =	shalt  }
0x4e: {  	_ =	shalt  }
0x4f: {  	_ =	shalt  }
0x50: {  	_ =	shalt  }
0x51: {  	_ =	shalt  }
0x52: {  	_ =	shalt  }
0x53: {  	_ =	shalt  }
0x54: {  	_ =	shalt  }
0x55: {  	_ =	shalt  }
0x56: {  	_ =	shalt  }
0x57: {  	_ =	shalt  }
0x58: {  	_ =	shalt  }
0x59: {  	_ =	shalt  }
0x5a: {  	_ =	shalt  }
0x5b: {  	_ =	shalt  }
0x5c: {  	_ =	shalt  }
0x5d: {  	_ =	shalt  }
0x5e: {  	_ =	shalt  }
0x5f: {  	_ =	shalt  }
0x60: {  	_ =	shalt  }
0x61: {  	_ =	shalt  }
0x62: {  	_ =	shalt  }
0x63: {  	_ =	shalt  }
0x64: {  	_ =	shalt  }
0x65: {  	_ =	shalt  }
0x66: {  	_ =	shalt  }
0x67: {  	_ =	shalt  }
0x68: {  	_ =	shalt  }
0x69: {  	_ =	shalt  }
0x6a: {  	_ =	shalt  }
0x6b: {  	_ =	shalt  }
0x6c: {  	_ =	shalt  }
0x6d: {  	_ =	shalt  }
0x6e: {  	_ =	shalt  }
0x6f: {  	_ =	shalt  }
0x70: {  	_ =	shalt  }
0x71: {  	_ =	shalt  }
0x72: {  	_ =	shalt  }
0x73: {  	_ =	shalt  }
0x74: {  	_ =	shalt  }
0x75: {  	_ =	shalt  }
0x76: {  	_ =	shalt  }
0x77: {  	_ =	shalt  }
0x78: {  	_ =	shalt  }
0x79: {  	_ =	shalt  }
0x7a: {  	_ =	shalt  }
0x7b: {  	_ =	shalt  }
0x7c: {  	_ =	shalt  }
0x7d: {  	_ =	shalt  }
0x7e: {  	_ =	shalt  }
0x7f: {  	_ =	shalt  }
0x80: {  	_ =	shalt  }
0x81: {  	_ =	shalt  }
0x82: {  	_ =	shalt  }
0x83: {  	_ =	shalt  }
0x84: {  	_ =	shalt  }
0x85: {  	_ =	shalt  }
0x86: {  	_ =	shalt  }
0x87: {  	_ =	shalt  }
.Lfunc_end0:
.L_simem_size_0:
called_computation_lowered:
.L_overlay_start_0:
0x88: {  	s2 =	sld [smem:$0x3FD9]  }
0x89: {  	s3 =	sld [smem:$0x3FFE];
	_ =	sdelay $0x1  }
0x8a: {  	s1 =	srdreg.scid  }
0x8b: {  	s0 =	sand.u32 $0x1, s1  }
0x8c: {  	s16 =	sshll.u32 s0, $0xA;
	s2 =	sadd.s32 s3, s2  }
0x8d: {  	s2 =	sadd.s32 s2, s16  }
0x8e: {  	[smem:$0x3FC1] =	sst s2  }
0x8f: {  	_ = 	snop  }
0x90: {  	(tm) =	ssettm $0x1  }
0x91: {  	s17 =	sld [smem:$0x3FFB];
	_ =	sdelay $0x3  }
0x92: {  	_ =	strace s17  }
0x93: {  	s2 =	sld [smem:$0x3FFC];
	_ =	sdelay $0x3  }
0x94: {  	_ =	strace s2  }
0x95: {  	s2 =	sld [smem:$0x3FFD];
	_ =	sdelay $0x3  }
0x96: {  	_ =	strace s2  }
0x97: {  	_ =	strace $0x8FFFFFFF  }
0x98: {  	s18 =	sld [smem:$0x3FDB];
	_ =	sdelay $0x1  }
0x99: {  	s19 =	simm.s32 $_scs_section_size  }
0x9a: {  	s4 =	simm.s32 $_size__tile_overlayer_lowered;
	s5 =	simm.s32 $_tile_overlayer_lowered  }
0x9b: {  	s22 =	simm.s32 $0x1BFF;
	s21 =	sshll.u32 s5, $0x1;
	s2 =	sadd.s32 s19, s18  }
0x9c: {  	s6 =	simm.s32 $0x0;
	s20 =	sshll.u32 s4, $0x1;
	s4 =	sadd.s32 s21, s2  }
0x9d: {  	[timem:s6], [sflag:s22] =	dma.local [hbm:s4], s20  }
0x9e: {  	_ =	swait.ge [sflag:s22], s20  }
0x9f: {  	s3 =	ssub.s32 $0x0, s20;
	[sflag:s22] =	ssyncset.done $0x0  }
0xa0: {  	[sflag:s22] =	ssyncadd.s32 s3;
	_ =	sdelay $0x1  }
0xa1: {  	s23 =	simm.s32 $0x1B8B  }
0xa2: {  	_ =	swait.ge [sflag:s23], $0x1  }
0xa3: {  	[sflag:s23] =	ssyncset.done $0x0  }
0xa4: {  	s25 =	simm.s32 $0x1B8E;
	s24 =	sld [smem:$0x3FFE];
	[sflag:s23] =	ssyncadd.s32 $0xFFFFFFFF  }
0xa5: {  	s26 =	simm.s32 $execute0_lowered;
	[smem:$0x3FD2] =	sst s25  }
0xa6: {  	s4 =	sshll.u32 s26, $0x1;
	_ =	strace $0x80000046;
	[dreg:$0x1] =	wrdreg $0xFFFFFFFF  }
0xa7: {  	s28 =	simm.s32 $_size_execute0_lowered;
	s2 =	sadd.s32 s2, s4;
	[dreg:$0x0] =	wrdreg $0x0  }
0xa8: {  	s4 =	sshll.u32 s28, $0x1;
	[dreg:$0x2] =	wrdreg s2  }
0xa9: {  	[dreg:$0x3] =	wrdreg s4  }
0xaa: {  	[dreg:$0x4] =	wrdreg $0xC0  }
0xab: {  	_ =	task [dreg:s6], $0x5FFFF  }
0xac: {  	[dreg:$0x1] =	wrdreg $0xFFFFFFFF  }
0xad: {  	[dreg:$0x0] =	wrdreg $0x60  }
0xae: {  	[dreg:$0x2] =	wrdreg s24  }
0xaf: {  	[dreg:$0x3] =	wrdreg $0x9  }
0xb0: {  	_ =	task.clear_ibuf [dreg:s6], $0x4FFFF;
	_ =	strace $0x90000046  }
0xb1: {  	s29 =	simm.s32 $0x9;
	_ =	strace $0x80000048  }
0xb2: {  	_ =	swait.ge [sflag:s29], $0x1  }
0xb3: {  	[sflag:s29] =	ssyncadd.s32 $0xFFFFFFFF  }
0xb4: {  	_ =	strace $0x90000048  }
0xb5: {  	_ =	sfence  }
0xb6: {  	s30 =	sld [smem:$0x0];
	_ =	sdelay $0x2  }
0xb7: {  	s31 =	sshll.u32 s1, $0xD;
	s1 =	sshrl.u32 s1, $0x2  }
0xb8: {  	s3 =	sand.u32 $0x4000, s31;
	s1 =	sadd.s32 s1, s30  }
0xb9: {  	s0 =	sor.u32 s3, s0;
	s1 =	sshll.u32 s1, $0x11  }
0xba: {  	s0 =	sor.u32 s1, s0  }
0xbb: {  	s0 =	sadd.s32 $0x8F2B, s0  }
0xbc: {  	[sflag:s0] =	ssyncadd.remote.s32 $0x1  }
0xbd: {  	_ =	sfence.sel $0xFFFF  }
0xbe: {  	[dreg:$0x0] =	wrdreg $0xFFFFFFFF;
	(pc) =	sbr.abs _section_cstart, $3  }
0xbf: {  	[dreg:$0x1] =	wrdreg $0xFFFFFFFF  }
0xc0: {  	_ =	task.clear_ibuf [dreg:s6], $0x2FFFF;
	_ =	strace $0x9FFFFFFF  }
0xc1: {  	(tm) =	ssettm $0x7FFFFFFF  }
tec
execute0_lowered:
.L_overlay_start_1:
0x0: {  	(tag) =	ssettag $0x1  }
0x1: {  	s0 =	rddreg [dreg:$0x0];
	s1 =	srdreg.scid;
	s2 =	simm.s32 $0x0  }
0x2: {  	s3 =	stileid.u32;
	s9 =	simm.s32 $0x2;
	s13 =	simm.s32 $0x1000  }
0x3: {  	s14 =	simm.s32 $0x2000;
	s15 =	simm.s32 $0x3000;
	s17 =	simm.s32 $0x9440  }
0x4: {  	s18 =	simm.s32 $0x4040;
	s19 =	simm.s32 $0x80;
	s20 =	simm.s32 $0x4440  }
0x5: {  	s28 =	simm.s32 $0x4240;
	s29 =	simm.s32 $0x6440;
	s30 =	simm.s32 $0x42C0  }
0x6: {  	s31 =	simm.s32 $0x6C40;
	s16 =	simm.s32 $0x43C0;
	s7 =	simm.s32 $0x19440  }
0x7: {  	s10 =	simm.s32 $0x0;
	s1 =	sand.u32 $0x1, s1;
	[smem:$0x7FF] =	sst s2  }
0x8: {  	s3 =	sshll.u32 s3, $0xA;
	s6 =	sadd.s32 $0xA000, s0;
	s23 =	sadd.s32 $0xA200, s0  }
0x9: {  	s4 =	sshll.u32 s1, $0x9;
	_ =	strace $0x80000047;
	[dreg:$0x2] =	wrdreg s6  }
0xa: {  	s1 =	ssub.s32 $0x2, s1;
	[dreg:$0x5] =	wrdreg s23;
	s4 =	sor.u32 s4, s3  }
0xb: {  	s3 =	sadd.s32 $0x1000A000, s0;
	s4 =	sadd.s32 s4, s0;
	s0 =	sadd.s32 $0xA400, s0  }
0xc: {  	s6 =	simm.s32 $0x8440;
	s21 =	sadd.s32 $0x6000, s4;
	[dreg:$0x6] =	wrdreg s0  }
0xd: {  	s5 =	sshrl.u32 s1, $0x1;
	s22 =	sadd.s32 $0x2000, s4;
	[dreg:$0x3] =	wrdreg s21  }
0xe: {  	s1 =	ssub.s32 s1, s5;
	s24 =	sadd.s32 $0xE600, s4;
	[dreg:$0x4] =	wrdreg s22  }
0xf: {  	s5 =	simm.s32 $0x1;
	s25 =	sadd.s32 $0xA600, s4;
	[dreg:$0x7] =	wrdreg s24  }
0x10: {  	v0 =	vlaneseq.u32;
	s26 =	smax.u32 s1, $0x1;
	s0 =	simm.s32 $0x4340;
	[dreg:$0x8] =	wrdreg s25  }
0x11: {  	v2 =	vimm.f32 $0.0e+00;
	v1 =	vmul.u32 $0x1000, v0;
	s1 =	simm.s32 $0x7440;
	s4 =	simm.s32 $0x7C40;
	[dreg:$0x9] =	wrdreg s26  }
0x12: {  	v3 =	vmul.u32 $0x10, v0;
	v4 =	vor.u32 $0xFF8, v0;
	v5 =	vor.u32 $0xFFFFFFF8, v0;
	s24 =	simm.s32 $0x5440;
	s25 =	simm.s32 $0x41C0;
	s26 =	simm.s32 $0x5C40  }
.LBB2_1:
0x13: {  	[dreg:$0xa] =	wrdreg s10  }
0x14: {  	s8 =	rddreg [dreg:$0x3]  }
0x15: {  	[tilespmem:s2], [sflag:$0x2] =	stream.linear.gather [hbm4b:s8+s2], $0x1000, $0x38;
	[tilespmem:$0x1A440] =	vst v63  }
0x16: {  	_ =	swait.ge [sflag:s9], $0x1000  }
0x17: {  	[sflag:s9] =	ssyncset.done $0x0  }
0x18: {  	s11 =	rddreg [dreg:$0x4];
	[sflag:s9] =	ssyncadd.s32 $0xFFFFF000  }
0x19: {  	[tilespmem:s13], [sflag:$0x2] =	stream.linear.gather [hbm4b:s11+s2], $0x1000, $0x38;
	[tilespmem:$0x1A440] =	vst v63  }
0x1a: {  	_ =	swait.ge [sflag:s9], $0x1000  }
0x1b: {  	[sflag:s9] =	ssyncset.done $0x0  }
0x1c: {  	s12 =	rddreg [dreg:$0x2];
	[sflag:s9] =	ssyncadd.s32 $0xFFFFF000  }
0x1d: {  	[tilespmem:s14], [sflag:$0x2] =	stream.linear.gather [hbm4b:s12+s2], $0x1000, $0x38;
	[tilespmem:$0x1A440] =	vst v63  }
0x1e: {  	_ =	swait.ge [sflag:s9], $0x1000  }
0x1f: {  	[sflag:s9] =	ssyncset.done $0x0  }
0x20: {  	s21 =	rddreg [dreg:$0x5];
	[sflag:s9] =	ssyncadd.s32 $0xFFFFF000  }
0x21: {  	[tilespmem:s15], [sflag:$0x2] =	stream.linear.gather [hbm4b:s21+s2], $0x1000, $0x38;
	[tilespmem:$0x1A440] =	vst v63  }
0x22: {  	_ =	swait.ge [sflag:s9], $0x1000  }
0x23: {  	[sflag:s9] =	ssyncset.done $0x0  }
0x24: {  	v6 =	vmov s2;
	s23 =	simm.s32 $0x4000;
	s22 =	rddreg [dreg:$0x6];
	[sflag:s9] =	ssyncadd.s32 $0xFFFFF000  }
0x25: {  	v6 =	vand.u32 $0xFFF, v6;
	[tilespmem:s23], [sflag:$0x2] =	stream.linear.gather [hbm4b:s22+s2], $0x40, $0x38;
	[tilespmem:$0x1A440] =	vst v63  }
0x26: {  	v6 =	vbroadcast v6, $0x0;
	_ =	swait.ge [sflag:s9], $0x40  }
0x27: {  	[sflag:s9] =	ssyncset.done $0x0  }
0x28: {  	s8 =	simm.s32 $0x1;
	v6 =	vor.u32 v1, v6;
	[sflag:s9] =	ssyncadd.s32 $0xFFFFFFC0  }
.LBB2_2:
0x29: {  	p0 =	sne.s32 s8, $0xFFF  }
.Ltmp0:
0x2a: {  	v7 =	vmov s8;
	s8 =	sadd.s32 $0x1, s8;
	(pc) =	sbr.rel @p0 .LBB2_2-.Ltmp0, $4  }
0x2b: {  	v7 =	vand.u32 $0xFFF, v7  }
0x2c: {  	v7 =	vbroadcast v7, $0x0  }
0x2d: {  	[tilespmem:v6+s17+$0x0] =	vst.idx.msk $0xffff, v2  }
0x2e: {  	v6 =	vor.u32 v1, v7  }
0x2f: {  	_ =	sdelay $0x3  }
0x30: {  	[tilespmem:v6+s17+$0x0] =	vst.idx.msk $0xffff, v2;
	s9 =	simm.s32 $0x0;
	s10 =	simm.s32 $0x0;
	s11 =	simm.s32 $0x0  }
.LBB2_4:
0x31: {  	s8 =	sadd.s32 $0x0, s10  }
0x32: {  	v7 =	vor.u32 s8, v0;
	_ =	sdelay $0x4  }
0x33: {  	s23 =	simm.s32 $0x0;
	v6 =	vld.idx.msk [tilespmem:v7+s2+$0x0], $0xffff  }
0x34: {  	s12 =	sand.u32 $0x70, s9;
	s8 =	sand.u32 $0xFFFFFF80, s23;
	v7 =	vld.idx.msk [tilespmem:v7+s13+$0x0], $0xffff  }
0x35: {  	s21 =	sor.u32 s12, s8  }
0x36: {  	s22 =	sadd.s32 $0x10, s10;
	v9 =	vor.u32 s21, v0  }
0x37: {  	v8 =	vor.u32 s22, v0;
	s12 =	simm.s32 $0x1;
	s8 =	simm.s32 $0x10;
	s21 =	simm.s32 $0x2  }
.LBB2_5:
0x38: {  	p0 =	sne.s32 s21, $0x3F  }
0x39: {  	v6 =	vshll.u32 v6, $0xA;
	v7 =	vshrl.u32 v7, $0x2  }
0x3a: {  	v6 =	vadd.s32 v6, v7  }
0x3b: {  	[tilespmem:v9+s18+$0x0] =	vst.idx.msk $0xffff, v6  }
0x3c: {  	v6 =	vld.idx.msk [tilespmem:v8+s2+$0x0], $0xffff  }
.Ltmp1:
0x3d: {  	s22 =	sshll.u32 s12, $0x4;
	s12 =	smov.u32 s21;
	v7 =	vld.idx.msk [tilespmem:v8+s13+$0x0], $0xffff;
	(pc) =	sbr.rel @p0 .LBB2_5-.Ltmp1, $4  }
0x3e: {  	s23 =	sand.u32 $0x70, s8;
	s22 =	sand.u32 $0xFFFFFF80, s22  }
0x3f: {  	s8 =	sadd.s32 $0x10, s8;
	s22 =	sor.u32 s23, s22  }
0x40: {  	s23 =	sadd.s32 s8, s10;
	v9 =	vor.u32 s22, v0  }
0x41: {  	s21 =	sadd.s32 $0x1, s21;
	v8 =	vor.u32 s23, v0  }
0x42: {  	_ =	sdelay $0x1  }
0x43: {  	v6 =	vshll.u32 v6, $0xA;
	v7 =	vshrl.u32 v7, $0x2  }
0x44: {  	v6 =	vadd.s32 v6, v7  }
0x45: {  	[tilespmem:v9+s18+$0x0] =	vst.idx.msk $0xffff, v6  }
0x46: {  	s12 =	sshll.u32 s12, $0x4;
	v6 =	vld.idx.msk [tilespmem:v8+s2+$0x0], $0xffff  }
0x47: {  	s8 =	sand.u32 $0x70, s8;
	s12 =	sand.u32 $0xFFFFFF80, s12;
	v7 =	vld.idx.msk [tilespmem:v8+s13+$0x0], $0xffff  }
0x48: {  	s8 =	sor.u32 s8, s12  }
0x49: {  	v8 =	vor.u32 s8, v0;
	_ =	sdelay $0x2  }
0x4a: {  	v6 =	vshll.u32 v6, $0xA;
	v7 =	vshrl.u32 v7, $0x2  }
0x4b: {  	v6 =	vadd.s32 v6, v7  }
0x4c: {  	[tilespmem:v8+s18+$0x0] =	vst.idx.msk $0xffff, v6  }
0x4d: {  	[tilespmem:s20], [sflag:$0x1] =	stream.indirect.gather [hbm4b:s3+s19], $0x10, s18, s19, $0xb8;
	[tilespmem:$0x1A440] =	vst v63  }
0x4e: {  	s22 =	simm.s32 $0x40C0;
	s23 =	simm.s32 $0x4C40  }
0x4f: {  	[tilespmem:s23], [sflag:$0x1] =	stream.indirect.gather [hbm4b:s3+s19], $0x10, s22, s19, $0xb8;
	[tilespmem:$0x1A440] =	vst v63  }
0x50: {  	s12 =	simm.s32 $0x4140  }
0x51: {  	[tilespmem:s24], [sflag:$0x1] =	stream.indirect.gather [hbm4b:s3+s19], $0x10, s12, s19, $0xb8;
	[tilespmem:$0x1A440] =	vst v63  }
0x52: {  	_ = 	snop  }
0x53: {  	[tilespmem:s26], [sflag:$0x1] =	stream.indirect.gather [hbm4b:s3+s19], $0x10, s25, s19, $0xb8;
	[tilespmem:$0x1A440] =	vst v63  }
0x54: {  	_ = 	snop  }
0x55: {  	[tilespmem:s29], [sflag:$0x1] =	stream.indirect.gather [hbm4b:s3+s19], $0x10, s28, s19, $0xb8;
	[tilespmem:$0x1A440] =	vst v63  }
0x56: {  	_ = 	snop  }
0x57: {  	[tilespmem:s31], [sflag:$0x1] =	stream.indirect.gather [hbm4b:s3+s19], $0x10, s30, s19, $0xb8;
	[tilespmem:$0x1A440] =	vst v63  }
0x58: {  	_ = 	snop  }
0x59: {  	[tilespmem:s1], [sflag:$0x1] =	stream.indirect.gather [hbm4b:s3+s19], $0x10, s0, s19, $0xb8;
	[tilespmem:$0x1A440] =	vst v63  }
0x5a: {  	_ = 	snop  }
0x5b: {  	[tilespmem:s4], [sflag:$0x1] =	stream.indirect.gather [hbm4b:s3+s19], $0x10, s16, s19, $0xb8;
	[tilespmem:$0x1A440] =	vst v63  }
0x5c: {  	_ =	swait.ge [sflag:s5], $0x800  }
0x5d: {  	[sflag:s5] =	ssyncset.done $0x0  }
0x5e: {  	[sflag:s5] =	ssyncadd.s32 $0xFFFFF800  }
0x5f: {  	_ =	swait.ge [sflag:s5], $0x800  }
0x60: {  	[sflag:s5] =	ssyncset.done $0x0  }
0x61: {  	[sflag:s5] =	ssyncadd.s32 $0xFFFFF800  }
0x62: {  	_ =	swait.ge [sflag:s5], $0x800  }
0x63: {  	[sflag:s5] =	ssyncset.done $0x0  }
0x64: {  	[sflag:s5] =	ssyncadd.s32 $0xFFFFF800  }
0x65: {  	_ =	swait.ge [sflag:s5], $0x800  }
0x66: {  	[sflag:s5] =	ssyncset.done $0x0  }
0x67: {  	[sflag:s5] =	ssyncadd.s32 $0xFFFFF800  }
0x68: {  	_ =	swait.ge [sflag:s5], $0x800  }
0x69: {  	[sflag:s5] =	ssyncset.done $0x0  }
0x6a: {  	[sflag:s5] =	ssyncadd.s32 $0xFFFFF800  }
0x6b: {  	_ =	swait.ge [sflag:s5], $0x800  }
0x6c: {  	[sflag:s5] =	ssyncset.done $0x0  }
0x6d: {  	[sflag:s5] =	ssyncadd.s32 $0xFFFFF800  }
0x6e: {  	s21 =	sadd.s32 $0x0, s10;
	_ =	swait.ge [sflag:s5], $0x800  }
0x6f: {  	v6 =	vor.u32 s21, v0;
	[sflag:s5] =	ssyncset.done $0x0  }
0x70: {  	[sflag:s5] =	ssyncadd.s32 $0xFFFFF800  }
0x71: {  	_ =	swait.ge [sflag:s5], $0x800  }
0x72: {  	[sflag:s5] =	ssyncset.done $0x0  }
0x73: {  	[sflag:s5] =	ssyncadd.s32 $0xFFFFF800  }
0x74: {  	v7 =	vld.idx.msk [tilespmem:v6+s13+$0x0], $0xffff;
	_ =	sdelay $0x1  }
0x75: {  	v8 =	vld.idx.msk [tilespmem:v6+s2+$0x0], $0xffff  }
0x76: {  	s22 =	simm.s32 $0x0  }
0x77: {  	v9 =	vmov s22  }
0x78: {  	v9 =	vshll.u32 v9, $0x4;
	v10 =	vshll.u32 v7, $0x2  }
0x79: {  	v9 =	vor.u32 v3, v9;
	v10 =	vand.u32 $0xC, v10  }
0x7a: {  	v9 =	vor.u32 v9, v10;
	_ =	sdelay $0x1  }
0x7b: {  	v14 =	vld [tilespmem:$0x4000];
	v10 =	vor.u32 $0x1, v9  }
0x7c: {  	v11 =	vld.idx.msk [tilespmem:v8+s14+$0x0], $0xffff  }
0x7d: {  	v7 =	vld.idx.msk [tilespmem:v7+s15+$0x0], $0xffff;
	v12 =	vor.u32 $0x2, v9  }
0x7e: {  	v13 =	vld.idx.msk [tilespmem:v9+s20+$0x0], $0xffff  }
0x7f: {  	v15 =	vld [tilespmem:$0x4010];
	v9 =	vor.u32 $0x3, v9  }
0x80: {  	v10 =	vld.idx.msk [tilespmem:v10+s20+$0x0], $0xffff  }
0x81: {  	v16 =	vld [tilespmem:$0x4020]  }
0x82: {  	v12 =	vld.idx.msk [tilespmem:v12+s20+$0x0], $0xffff  }
0x83: {  	v63 =	vld [tilespmem:$0x4030];
	v7 =	vadd.f32 v7, v11;
	v11 =	vmul.f32 v14, v13  }
0x84: {  	v9 =	vld.idx.msk [tilespmem:v9+s20+$0x0], $0xffff  }
0x85: {  	v10 =	vmul.f32 v15, v10;
	v7 =	vadd.f32 v11, v7;
	_ =	sdelay $0x1  }
0x86: {  	v7 =	vadd.f32 v10, v7;
	v10 =	vmul.f32 v16, v12;
	_ =	sdelay $0x1  }
0x87: {  	v9 =	vmul.f32 v63, v9;
	v7 =	vadd.f32 v10, v7;
	_ =	sdelay $0x1  }
0x88: {  	v7 =	vadd.f32 v9, v7;
	_ =	sdelay $0x1  }
0x89: {  	v7 =	vmax.f32 v7, $-2.000000000e+00  }
0x8a: {  	v7 =	vmin.f32 v7, $2.000000000e+00  }
0x8b: {  	v7 =	vmul.f32 $1.442695020e+00, v7;
	_ =	sdelay $0x1  }
0x8c: {  	(erf) = vpow2.f32 v7;
	_ =	sdelay $0x5  }
0x8d: {  	s23 =	sadd.s32 $0x10, s10;
	v8 =	vadd.s32 v1, v8  }
0x8e: {  	s8 =	simm.s32 $0x10;
	s12 =	simm.s32 $0x20;
	v7 =	vor.u32 s23, v0  }
.LBB2_7:
0x8f: {  	p0 =	sne.s32 s12, $0x3F0  }
0x90: {  	v9 =	vpop (erf)  }
0x91: {  	[tilespmem:v6+s6+$0x0] =	vst.idx.msk $0xffff, v9;
	v6 =	vmov v7  }
0x92: {  	[tilespmem:v8+s17+$0x0] =	vst.idx.add.f32.msk $0xffff, v9  }
0x93: {  	v7 =	vld.idx.msk [tilespmem:v7+s13+$0x0], $0xffff;
	_ =	sdelay $0x2  }
0x94: {  	v8 =	vld.idx.msk [tilespmem:v6+s2+$0x0], $0xffff;
	_ =	sdelay $0x1  }
0x95: {  	v9 =	vmov s8;
	s8 =	smov.u32 s12  }
0x96: {  	v9 =	vshll.u32 v9, $0x4;
	v10 =	vshll.u32 v7, $0x2  }
0x97: {  	v9 =	vor.u32 v3, v9;
	v10 =	vand.u32 $0xC, v10  }
0x98: {  	v9 =	vor.u32 v9, v10;
	_ =	sdelay $0x1  }
0x99: {  	v10 =	vor.u32 $0x1, v9  }
0x9a: {  	v11 =	vld.idx.msk [tilespmem:v8+s14+$0x0], $0xffff  }
0x9b: {  	v12 =	vor.u32 $0x2, v9;
	v7 =	vld.idx.msk [tilespmem:v7+s15+$0x0], $0xffff  }
0x9c: {  	v13 =	vld.idx.msk [tilespmem:v9+s20+$0x0], $0xffff  }
0x9d: {  	v9 =	vor.u32 $0x3, v9;
	v14 =	vld [tilespmem:$0x4000]  }
0x9e: {  	v10 =	vld.idx.msk [tilespmem:v10+s20+$0x0], $0xffff  }
0x9f: {  	v15 =	vld [tilespmem:$0x4010]  }
0xa0: {  	v12 =	vld.idx.msk [tilespmem:v12+s20+$0x0], $0xffff  }
0xa1: {  	v16 =	vld [tilespmem:$0x4020]  }
0xa2: {  	v7 =	vadd.f32 v7, v11;
	v11 =	vmul.f32 v14, v13;
	v9 =	vld.idx.msk [tilespmem:v9+s20+$0x0], $0xffff  }
0xa3: {  	v13 =	vld [tilespmem:$0x4030]  }
0xa4: {  	v7 =	vadd.f32 v11, v7;
	v10 =	vmul.f32 v15, v10;
	_ =	sdelay $0x1  }
0xa5: {  	v7 =	vadd.f32 v10, v7;
	v10 =	vmul.f32 v16, v12;
	_ =	sdelay $0x1  }
0xa6: {  	v7 =	vadd.f32 v10, v7;
	v9 =	vmul.f32 v13, v9;
	_ =	sdelay $0x1  }
0xa7: {  	v7 =	vadd.f32 v9, v7;
	_ =	sdelay $0x1  }
0xa8: {  	v7 =	vmax.f32 v7, $-2.000000000e+00  }
0xa9: {  	v7 =	vmin.f32 v7, $2.000000000e+00  }
0xaa: {  	v7 =	vmul.f32 $1.442695020e+00, v7;
	_ =	sdelay $0x1  }
0xab: {  	(erf) = vpow2.f32 v7;
	_ =	sdelay $0x2  }
.Ltmp2:
0xac: {  	(pc) =	sbr.rel @p0 .LBB2_7-.Ltmp2, $3  }
0xad: {  	_ =	sdelay $0x1  }
0xae: {  	s21 =	sadd.s32 s12, s10;
	v8 =	vadd.s32 v1, v8  }
0xaf: {  	s12 =	sadd.s32 $0x10, s12;
	v7 =	vor.u32 s21, v0  }
0xb0: {  	_ =	sdelay $0x2  }
0xb1: {  	v9 =	vpop (erf)  }
0xb2: {  	[tilespmem:v6+s6+$0x0] =	vst.idx.msk $0xffff, v9  }
0xb3: {  	[tilespmem:v8+s17+$0x0] =	vst.idx.add.f32.msk $0xffff, v9  }
0xb4: {  	v6 =	vld.idx.msk [tilespmem:v7+s13+$0x0], $0xffff;
	_ =	sdelay $0x1  }
0xb5: {  	v8 =	vld.idx.msk [tilespmem:v7+s2+$0x0], $0xffff;
	_ =	sdelay $0x1  }
0xb6: {  	v59 =	vmov s8  }
0xb7: {  	v9 =	vshll.u32 v59, $0x4;
	v10 =	vshll.u32 v6, $0x2  }
0xb8: {  	v9 =	vor.u32 v3, v9;
	v10 =	vand.u32 $0xC, v10  }
0xb9: {  	v9 =	vor.u32 v9, v10;
	_ =	sdelay $0x1  }
0xba: {  	v14 =	vld [tilespmem:$0x4000];
	v10 =	vor.u32 $0x1, v9  }
0xbb: {  	v11 =	vld.idx.msk [tilespmem:v8+s14+$0x0], $0xffff  }
0xbc: {  	v6 =	vld.idx.msk [tilespmem:v6+s15+$0x0], $0xffff;
	v12 =	vor.u32 $0x2, v9  }
0xbd: {  	v13 =	vld.idx.msk [tilespmem:v9+s20+$0x0], $0xffff  }
0xbe: {  	v15 =	vld [tilespmem:$0x4010];
	v9 =	vor.u32 $0x3, v9  }
0xbf: {  	v10 =	vld.idx.msk [tilespmem:v10+s20+$0x0], $0xffff  }
0xc0: {  	v16 =	vld [tilespmem:$0x4020]  }
0xc1: {  	v12 =	vld.idx.msk [tilespmem:v12+s20+$0x0], $0xffff  }
0xc2: {  	v61 =	vld [tilespmem:$0x4030];
	v6 =	vadd.f32 v6, v11;
	v60 =	vmul.f32 v14, v13  }
0xc3: {  	v9 =	vld.idx.msk [tilespmem:v9+s20+$0x0], $0xffff  }
0xc4: {  	v10 =	vmul.f32 v15, v10;
	v6 =	vadd.f32 v60, v6;
	_ =	sdelay $0x1  }
0xc5: {  	v62 =	vmul.f32 v16, v12;
	v6 =	vadd.f32 v10, v6;
	_ =	sdelay $0x1  }
0xc6: {  	v9 =	vmul.f32 v61, v9;
	v6 =	vadd.f32 v62, v6;
	_ =	sdelay $0x1  }
0xc7: {  	v6 =	vadd.f32 v9, v6;
	_ =	sdelay $0x1  }
0xc8: {  	v6 =	vmax.f32 v6, $-2.000000000e+00  }
0xc9: {  	v6 =	vmin.f32 v6, $2.000000000e+00  }
0xca: {  	v6 =	vmul.f32 $1.442695020e+00, v6;
	_ =	sdelay $0x1  }
0xcb: {  	(erf) = vpow2.f32 v6;
	_ =	sdelay $0x4  }
0xcc: {  	s11 =	sadd.s32 $0x1, s11  }
0xcd: {  	p0 =	sne.s32 s11, $0x4;
	v6 =	vadd.s32 v1, v8  }
.Ltmp3:
0xce: {  	_ = 	snop;
	(pc) =	sbr.rel @p0 .LBB2_4-.Ltmp3, $4  }
0xcf: {  	_ = 	snop  }
0xd0: {  	v63 =	vpop (erf)  }
0xd1: {  	[tilespmem:v7+s6+$0x0] =	vst.idx.msk $0xffff, v63  }
0xd2: {  	s10 =	sadd.s32 $0x400, s10;
	s8 =	simm.s32 $0x0;
	[tilespmem:v6+s17+$0x0] =	vst.idx.add.f32.msk $0xffff, v63  }
.LBB2_9:
0xd3: {  	s9 =	sshll.u32 s8, $0x4  }
0xd4: {  	v6 =	vor.u32 s9, v0  }
0xd5: {  	s23 =	simm.s32 $0x0;
	v7 =	vand.u32 v4, v6  }
0xd6: {  	v9 =	vor.u32 s23, v7;
	_ =	sdelay $0x3  }
0xd7: {  	s10 =	simm.s32 $0x1000  }
0xd8: {  	v8 =	vimm.f32 $0.0e+00;
	s9 =	simm.s32 $0x2;
	v10 =	vor.u32 s10, v7;
	v9 =	vld.idx.msk [tilespmem:v9+s17+$0x0], $0xffff  }
.LBB2_10:
0xd9: {  	p0 =	sne.s32 s9, $0xF  }
.Ltmp4:
0xda: {  	_ = 	snop;
	(pc) =	sbr.rel @p0 .LBB2_10-.Ltmp4, $3  }
0xdb: {  	_ =	sdelay $0x1  }
0xdc: {  	s10 =	sshll.u32 s9, $0xC;
	s9 =	sadd.s32 $0x1, s9;
	v8 =	vadd.f32 v9, v8;
	v9 =	vld.idx.msk [tilespmem:v10+s17+$0x0], $0xffff  }
0xdd: {  	v10 =	vor.u32 s10, v7  }
0xde: {  	_ =	sdelay $0x3  }
0xdf: {  	v7 =	vld.idx.msk [tilespmem:v10+s17+$0x0], $0xffff  }
0xe0: {  	s8 =	sadd.s32 $0x1, s8  }
0xe1: {  	v6 =	vand.u32 v5, v6;
	p0 =	sne.s32 s8, $0x100  }
.Ltmp5:
0xe2: {  	v8 =	vadd.f32 v9, v8;
	(pc) =	sbr.rel @p0 .LBB2_9-.Ltmp5, $3  }
0xe3: {  	_ = 	snop  }
0xe4: {  	v7 =	vadd.f32 v7, v8;
	_ =	sdelay $0x1  }
0xe5: {  	[tilespmem:v6+s7+$0x0] =	vst.idx.msk $0xffff, v7  }
0xe6: {  	s8 =	rddreg [dreg:$0x7];
	s9 =	simm.s32 $0x2  }
0xe7: {  	[hbm4b:s8+s2] =	stream.linear.scatter [tilespmem:s6], [sflag:$0x2], $0x1000, $0x38;
	[tilespmem:$0x1A440] =	vst v63  }
0xe8: {  	_ =	swait.ge [sflag:s9], $0x1000  }
0xe9: {  	[sflag:s9] =	ssyncset.done $0x0  }
0xea: {  	s22 =	rddreg [dreg:$0x8];
	[sflag:s9] =	ssyncadd.s32 $0xFFFFF000  }
0xeb: {  	[hbm4b:s22+s2] =	stream.linear.scatter [tilespmem:s7], [sflag:$0x2], $0x1000, $0x38;
	[tilespmem:$0x1A440] =	vst v63  }
0xec: {  	_ =	swait.ge [sflag:s9], $0x1000  }
0xed: {  	s10 =	rddreg [dreg:$0xa]  }
0xee: {  	s23 =	rddreg [dreg:$0x9];
	s10 =	sadd.s32 $0x1, s10  }
0xef: {  	p0 =	sne.s32 s10, s23  }
.Ltmp6:
0xf0: {  	_ = 	snop;
	(pc) =	sbr.rel @p0 .LBB2_1-.Ltmp6, $3  }
0xf1: {  	_ =	sdelay $0x1  }
0xf2: {  	[sflag:s9] =	ssyncset.done $0x0  }
0xf3: {  	[sflag:s9] =	ssyncadd.s32 $0xFFFFF000  }
0xf4: {  	_ =	sfence.sel $0x180000  }
0xf5: {  	[bflag:$0x0] =	sbarrier.arrive $0xFFFF  }
0xf6: {  	_ =	strace $0x90000047  }
0xf7: {  	s0 =	stileid.u32;
	[bflag:$0x2] =	sbarrier.arrive $0xFFFF  }
0xf8: {  	p0 =	sne.s32 s0, $0x0;
	s0 =	rddreg [dreg:$0x1]  }
0xf9: {  	s0 =	sadd.s32 @!p0 $0x100000, s0  }
0xfa: {  	[sflag:s0] =	ssyncadd.tile.s32 @!p0 $0x1;
	_ =	shalt  }
.Lfunc_end2:
_tile_overlayer_lowered:
.L_overlay_start_2:
0xfb: {  	(tag) =	ssettag $0x2  }
0xfc: {  	s0 =	rddreg [dreg:$0x0];
	s2 =	stileid.u32  }
0xfd: {  	s1 =	rddreg [dreg:$0x1];
	p0 =	sne.s32 s2, $0x0  }
0xfe: {  	s3 =	rddreg [dreg:$0x2];
	[bflag:$0x3] =	sbarrier.arrive $0xFFFF;
	s2 =	simm.s32 @!p0 $0x1C02  }
0xff: {  	[timem:s3], [sflag:s2] =	dma.local @!p0 [hbm:s0], s1  }
0x100: {  	s0 =	simm.s32 @!p0 $0x2  }
0x101: {  	_ =	swait.ge @!p0 [sflag:s0], s1  }
0x102: {  	s1 =	ssub.s32 @!p0 $0x0, s1;
	[sflag:s0] =	ssyncset.done @!p0 $0x0  }
0x103: {  	[sflag:s0] =	ssyncadd.s32 @!p0 s1  }
0x104: {  	[bflag:$0x3] =	sbarrier.arrive $0xFFFF  }
0x105: {  	_ =	shalt  }

// kernel: kernel.9.cloned.1.call-start
scs
__scs_entry_jumppad:
0x0: {  	(pc) =	sbr.rel $0x88, $3  }
0x1: {  	(tag) =	ssettag $0x0;
	lr =	simm.s32 $0x1  }
0x2: {  	[smem:$0x3F9A] =	sst lr;
	_ =	strace $0xD0000000  }
0x3: {  	_ = 	snop  }
0x4: {  	_ = 	snop  }
0x5: {  	_ = 	snop  }
0x6: {  	_ = 	snop  }
0x7: {  	_ = 	snop  }
__scs_overlays_trampoline_lowered:
0x8: {  	[smem:$0x3FA9] =	sst s0  }
0x9: {  	[smem:$0x3FAA] =	sst s1  }
0xa: {  	[smem:$0x3FAB] =	sst s2  }
0xb: {  	[smem:$0x3FAC] =	sst s3  }
0xc: {  	[smem:$0x3FAD] =	sst s4  }
0xd: {  	[smem:$0x3FAE] =	sst s5  }
0xe: {  	[smem:$0x3FAF] =	sst s6  }
0xf: {  	[smem:$0x3FB0] =	sst s7  }
0x10: {  	[smem:$0x3FB1] =	sst s8  }
0x11: {  	[smem:$0x3FB2] =	sst s9;
	s0 =	simm.s32 @!p0 $0x0  }
0x12: {  	s1 =	sld [smem:$0x3F98];
	s0 =	simm.s32 @p0 $0x1  }
0x13: {  	[smem:$0x3FB3] =	sst s0;
	s0 =	simm.s32 @!p1 $0x0  }
0x14: {  	s2 =	sld [smem:$0x3F97];
	s0 =	simm.s32 @p1 $0x1  }
0x15: {  	[smem:$0x3FB4] =	sst s0;
	s0 =	simm.s32 @!p2 $0x0  }
0x16: {  	s3 =	sld [smem:$0x3FDB];
	s0 =	simm.s32 @p2 $0x1  }
0x17: {  	s4 =	simm.s32 $0x1BF5;
	[smem:$0x3FB6] =	sst s0  }
0x18: {  	s0 =	sld [smem:$0x3F99];
	_ =	swait.ge [sflag:s4], $0x0  }
0x19: {  	s7 =	sld [smem:$0x3F9A]  }
0x1a: {  	s8 =	sadd.s32 $0xFFFFE003, lr  }
0x1b: {  	s9 =	sadd.s32 $0xFFFFFEF7, lr;
	s5 =	simm.s32 $0xFFFFFFFF;
	p2 =	slt.u32 s8, $0xFFFFF086  }
0x1c: {  	p1 =	slt.u32 s9, $0xF7A;
	s5 =	simm.s32 @!p2 $0x0  }
0x1d: {  	s5 =	simm.s32 @p1 $0x1;
	p0 =	seq.s32 s7, s2  }
0x1e: {  	s7 =	smul.u32 @!p0 $0xF7A, s2;
	p2 =	seq.s32 @!p0 s5, $0x0  }
0x1f: {  	s9 =	smul.u32 $0xF7A, s1;
	s8 =	simm.s32 @!p0 $0x1BF5;
	p2 =	por !p2, p0  }
0x20: {  	[sflag:s8] =	ssyncset.s32 @!p0 $0xFFFFF086;
	s6 =	sadd.s32 @!p0 s3, s7;
	s7 =	simm.s32 @!p0 $0x108  }
0x21: {  	s3 =	sadd.s32 s3, s9;
	s6 =	sadd.s32 @!p0 $0x88, s6;
	s7 =	simm.s32 @p2 $0x1082  }
0x22: {  	[simem:s7], [sflag:s8] =	dma.local @!p0 [hbm:s6], $0xF7A  }
0x23: {  	s9 =	sor.u32 $0xD0000000, s2;
	s6 =	simm.s32 $0x108;
	_ =	swait.ge @!p0 [sflag:s8], $0x0  }
0x24: {  	s3 =	sadd.s32 $0x88, s3;
	s6 =	simm.s32 @!p1 $0x1082;
	[sflag:s4] =	ssyncset.s32 $0xFFFFF086  }
0x25: {  	[simem:s6], [sflag:s4] =	dma.local [hbm:s3], $0xF7A  }
0x26: {  	[smem:$0x3F9A] =	sst s1;
	(tag) =	ssettag s2;
	_ =	strace s9  }
0x27: {  	s1 =	sld [smem:$0x3FAA]  }
0x28: {  	s2 =	sld [smem:$0x3FAB]  }
0x29: {  	s4 =	sld [smem:$0x3FAD]  }
0x2a: {  	p0 =	seq.s32 s5, $0x0;
	s5 =	sld [smem:$0x3FAE]  }
0x2b: {  	s6 =	sld [smem:$0x3FAF]  }
0x2c: {  	s7 =	sld [smem:$0x3FB0]  }
0x2d: {  	s3 =	simm.s32 $0x108;
	s8 =	sld [smem:$0x3FB1]  }
0x2e: {  	s3 =	simm.s32 @!p0 $0x1082;
	s9 =	sld [smem:$0x3FB2]  }
0x2f: {  	lr =	sadd.s32 s0, s3;
	s0 =	sld [smem:$0x3FA9]  }
0x30: {  	s3 =	sld [smem:$0x3FAC]  }
0x31: {  	[smem:$0x3FB5] =	sst s10  }
0x32: {  	s10 =	sld [smem:$0x3FB3];
	_ =	sdelay $0x3  }
0x33: {  	p0 =	seq.s32 s10, $0x1;
	s10 =	sld [smem:$0x3FB5];
	_ =	sdelay $0x3  }
0x34: {  	[smem:$0x3FB5] =	sst s10  }
0x35: {  	s10 =	sld [smem:$0x3FB4];
	_ =	sdelay $0x3  }
0x36: {  	p1 =	seq.s32 s10, $0x1;
	s10 =	sld [smem:$0x3FB5];
	_ =	sdelay $0x3  }
0x37: {  	[smem:$0x3FB5] =	sst s10  }
0x38: {  	s10 =	sld [smem:$0x3FB6]  }
0x39: {  	_ = 	snop;
	(pc) =	sbr.ind lr, $3  }
0x3a: {  	_ = 	snop  }
0x3b: {  	_ = 	snop  }
0x3c: {  	p2 =	seq.s32 s10, $0x1;
	s10 =	sld [smem:$0x3FB5]  }
0x3d: {  	_ =	shalt  }
0x3e: {  	_ =	shalt  }
0x3f: {  	_ =	shalt  }
0x40: {  	_ =	shalt  }
0x41: {  	_ =	shalt  }
0x42: {  	_ =	shalt  }
0x43: {  	_ =	shalt  }
0x44: {  	_ =	shalt  }
0x45: {  	_ =	shalt  }
0x46: {  	_ =	shalt  }
0x47: {  	_ =	shalt  }
0x48: {  	_ =	shalt  }
0x49: {  	_ =	shalt  }
0x4a: {  	_ =	shalt  }
0x4b: {  	_ =	shalt  }
0x4c: {  	_ =	shalt  }
0x4d: {  	_ =	shalt  }
0x4e: {  	_ =	shalt  }
0x4f: {  	_ =	shalt  }
0x50: {  	_ =	shalt  }
0x51: {  	_ =	shalt  }
0x52: {  	_ =	shalt  }
0x53: {  	_ =	shalt  }
0x54: {  	_ =	shalt  }
0x55: {  	_ =	shalt  }
0x56: {  	_ =	shalt  }
0x57: {  	_ =	shalt  }
0x58: {  	_ =	shalt  }
0x59: {  	_ =	shalt  }
0x5a: {  	_ =	shalt  }
0x5b: {  	_ =	shalt  }
0x5c: {  	_ =	shalt  }
0x5d: {  	_ =	shalt  }
0x5e: {  	_ =	shalt  }
0x5f: {  	_ =	shalt  }
0x60: {  	_ =	shalt  }
0x61: {  	_ =	shalt  }
0x62: {  	_ =	shalt  }
0x63: {  	_ =	shalt  }
0x64: {  	_ =	shalt  }
0x65: {  	_ =	shalt  }
0x66: {  	_ =	shalt  }
0x67: {  	_ =	shalt  }
0x68: {  	_ =	shalt  }
0x69: {  	_ =	shalt  }
0x6a: {  	_ =	shalt  }
0x6b: {  	_ =	shalt  }
0x6c: {  	_ =	shalt  }
0x6d: {  	_ =	shalt  }
0x6e: {  	_ =	shalt  }
0x6f: {  	_ =	shalt  }
0x70: {  	_ =	shalt  }
0x71: {  	_ =	shalt  }
0x72: {  	_ =	shalt  }
0x73: {  	_ =	shalt  }
0x74: {  	_ =	shalt  }
0x75: {  	_ =	shalt  }
0x76: {  	_ =	shalt  }
0x77: {  	_ =	shalt  }
0x78: {  	_ =	shalt  }
0x79: {  	_ =	shalt  }
0x7a: {  	_ =	shalt  }
0x7b: {  	_ =	shalt  }
0x7c: {  	_ =	shalt  }
0x7d: {  	_ =	shalt  }
0x7e: {  	_ =	shalt  }
0x7f: {  	_ =	shalt  }
0x80: {  	_ =	shalt  }
0x81: {  	_ =	shalt  }
0x82: {  	_ =	shalt  }
0x83: {  	_ =	shalt  }
0x84: {  	_ =	shalt  }
0x85: {  	_ =	shalt  }
0x86: {  	_ =	shalt  }
0x87: {  	_ =	shalt  }
.Lfunc_end0:
.L_simem_size_0:
called_computation.1_lowered:
.L_overlay_start_0:
0x88: {  	s2 =	sld [smem:$0x3FD9]  }
0x89: {  	s3 =	sld [smem:$0x3FFE];
	_ =	sdelay $0x1  }
0x8a: {  	s1 =	srdreg.scid  }
0x8b: {  	s0 =	sand.u32 $0x1, s1  }
0x8c: {  	s17 =	sshll.u32 s0, $0xA;
	s2 =	sadd.s32 s3, s2  }
0x8d: {  	s2 =	sadd.s32 s2, s17  }
0x8e: {  	[smem:$0x3FC1] =	sst s2  }
0x8f: {  	_ = 	snop  }
0x90: {  	s2 =	sld [smem:$0x3FD0];
	(tm) =	ssettm $0x1  }
0x91: {  	s18 =	sld [smem:$0x3FFB];
	_ =	sdelay $0x3  }
0x92: {  	_ =	strace s18  }
0x93: {  	s3 =	sld [smem:$0x3FFC];
	_ =	sdelay $0x3  }
0x94: {  	_ =	strace s3  }
0x95: {  	s3 =	sld [smem:$0x3FFD];
	_ =	sdelay $0x3  }
0x96: {  	_ =	strace s3  }
0x97: {  	_ =	strace $0x8FFFFFFF  }
0x98: {  	s19 =	sld [smem:$0x3FDB];
	_ =	sdelay $0x1  }
0x99: {  	s4 =	simm.s32 $_scs_section_size  }
0x9a: {  	s5 =	simm.s32 $_size__tile_overlayer_lowered;
	s6 =	simm.s32 $_tile_overlayer_lowered  }
0x9b: {  	s22 =	simm.s32 $0x1BFF;
	s21 =	sshll.u32 s6, $0x1;
	s3 =	sadd.s32 s4, s19  }
0x9c: {  	s7 =	simm.s32 $0x0;
	s20 =	sshll.u32 s5, $0x1;
	s5 =	sadd.s32 s21, s3  }
0x9d: {  	[timem:s7], [sflag:s22] =	dma.local [hbm:s5], s20  }
0x9e: {  	_ =	swait.ge [sflag:s22], s20  }
0x9f: {  	s4 =	ssub.s32 $0x0, s20;
	[sflag:s22] =	ssyncset.done $0x0  }
0xa0: {  	[sflag:s22] =	ssyncadd.s32 s4;
	_ =	sdelay $0x1  }
0xa1: {  	s23 =	simm.s32 $0x1B8B  }
0xa2: {  	_ =	swait.ge [sflag:s23], $0x1  }
0xa3: {  	[sflag:s23] =	ssyncset.done $0x0  }
0xa4: {  	s25 =	simm.s32 $0x1B8E;
	s24 =	sld [smem:$0x3FFE];
	[sflag:s23] =	ssyncadd.s32 $0xFFFFFFFF  }
0xa5: {  	s26 =	simm.s32 $execute0_lowered;
	[smem:$0x3FD2] =	sst s25  }
0xa6: {  	s5 =	sshll.u32 s26, $0x1;
	_ =	strace $0x80000049;
	[dreg:$0x1] =	wrdreg $0xFFFFFFFF  }
0xa7: {  	s28 =	simm.s32 $_size_execute0_lowered;
	s3 =	sadd.s32 s3, s5;
	[dreg:$0x0] =	wrdreg $0x0  }
0xa8: {  	s5 =	sshll.u32 s28, $0x1;
	[dreg:$0x2] =	wrdreg s3  }
0xa9: {  	[dreg:$0x3] =	wrdreg s5  }
0xaa: {  	[dreg:$0x4] =	wrdreg $0xC0  }
0xab: {  	_ =	task [dreg:s7], $0x5FFFF  }
0xac: {  	[dreg:$0x1] =	wrdreg $0xFFFFFFFF  }
0xad: {  	[dreg:$0x0] =	wrdreg $0x60  }
0xae: {  	[dreg:$0x2] =	wrdreg s24  }
0xaf: {  	[dreg:$0x3] =	wrdreg s2  }
0xb0: {  	[dreg:$0x4] =	wrdreg $0x9  }
0xb1: {  	_ =	task.clear_ibuf [dreg:s7], $0x5FFFF;
	_ =	strace $0x90000049  }
0xb2: {  	s29 =	simm.s32 $0x9;
	_ =	strace $0x8000004B  }
0xb3: {  	_ =	swait.ge [sflag:s29], $0x1  }
0xb4: {  	[sflag:s29] =	ssyncadd.s32 $0xFFFFFFFF  }
0xb5: {  	_ =	strace $0x9000004B  }
0xb6: {  	_ =	sfence  }
0xb7: {  	s30 =	sld [smem:$0x0];
	_ =	sdelay $0x2  }
0xb8: {  	s31 =	sshll.u32 s1, $0xD;
	s1 =	sshrl.u32 s1, $0x2  }
0xb9: {  	s3 =	sand.u32 $0x4000, s31;
	s1 =	sadd.s32 s1, s30  }
0xba: {  	s0 =	sor.u32 s3, s0;
	s1 =	sshll.u32 s1, $0x11  }
0xbb: {  	s0 =	sor.u32 s1, s0  }
0xbc: {  	s0 =	sadd.s32 $0x8F2B, s0  }
0xbd: {  	[sflag:s0] =	ssyncadd.remote.s32 $0x1  }
0xbe: {  	_ =	sfence.sel $0xFFFF  }
0xbf: {  	[dreg:$0x0] =	wrdreg $0xFFFFFFFF;
	(pc) =	sbr.abs _section_cstart, $3  }
0xc0: {  	[dreg:$0x1] =	wrdreg $0xFFFFFFFF  }
0xc1: {  	_ =	task.clear_ibuf [dreg:s7], $0x2FFFF;
	_ =	strace $0x9FFFFFFF  }
0xc2: {  	(tm) =	ssettm $0x7FFFFFFF  }
0xc3: {  	_ =	shalt  }
tec
execute0_lowered:
.L_overlay_start_1:
0x0: {  	(tag) =	ssettag $0x1  }
0x1: {  	s0 =	rddreg [dreg:$0x0]  }
0x2: {  	s1 =	rddreg [dreg:$0x1]  }
0x3: {  	s3 =	simm.s32 $0x0;
	s11 =	stileid.u32;
	s2 =	srdreg.scid  }
0x4: {  	s12 =	simm.s32 $0x800;
	s13 =	simm.s32 $0x1000;
	s14 =	simm.s32 $0x1800  }
0x5: {  	s15 =	simm.s32 $0x80;
	s16 =	simm.s32 $0x2000;
	s19 =	simm.s32 $0x1D80  }
0x6: {  	s20 =	simm.s32 $0x7800;
	s21 =	simm.s32 $0x1E00;
	s22 =	simm.s32 $0x8000  }
0x7: {  	s23 =	simm.s32 $0x1E80;
	s24 =	simm.s32 $0x8800;
	s28 =	simm.s32 $0x1F80  }
0x8: {  	s29 =	simm.s32 $0x9800;
	s31 =	simm.s32 $0x0;
	[smem:$0x7FF] =	sst s3  }
0x9: {  	s4 =	sadd.s32 $0x6000, s0;
	s5 =	sadd.s32 $0x2000, s0;
	s2 =	sand.u32 $0x1, s2  }
0xa: {  	s7 =	sshll.u32 s11, $0x1;
	s6 =	sadd.s32 $0xE600, s0;
	s9 =	sand.u32 $0xE, s11  }
0xb: {  	s30 =	sshrl.u32 s11, $0x1;
	s11 =	simm.s32 $0x2;
	_ =	strace $0x8000004A  }
0xc: {  	s8 =	ssub.s32 $0x2, s2;
	s7 =	sand.u32 $0x2, s7;
	s0 =	sadd.s32 s9, s0  }
0xd: {  	v0 =	vmov s30;
	s30 =	simm.s32 $0x1;
	s10 =	sshrl.u32 s8, $0x1;
	s2 =	sor.u32 s2, s7  }
0xe: {  	s8 =	ssub.s32 s8, s10;
	s25 =	sshll.u32 s2, $0x10;
	s7 =	sshll.u32 s2, $0xC  }
0xf: {  	s10 =	simm.s32 $0xA000;
	s0 =	sadd.s32 s25, s0;
	s26 =	smax.u32 s8, $0x1  }
0x10: {  	s2 =	simm.s32 $0x0;
	s0 =	sadd.s32 $0x12600, s0;
	[dreg:$0x4] =	wrdreg s26  }
0x11: {  	v1 =	vlaneseq.u32;
	v2 =	vimm.f32 $0.0e+00;
	s25 =	simm.s32 $0x1F00;
	s26 =	simm.s32 $0x9000;
	[dreg:$0x3] =	wrdreg s0  }
.LBB2_1:
0x12: {  	s18 =	simm.s32 $0x0  }
0x13: {  	[dreg:$0x5] =	wrdreg s2;
	s0 =	simm.s32 $0x1;
	v3 =	vor.u32 s18, v1  }
.LBB2_2:
0x14: {  	p0 =	seq.s32 s0, $0xFFF  }
.Ltmp0:
0x15: {  	_ = 	snop;
	(pc) =	sbr.rel @!p0 .LBB2_2-.Ltmp0, $3  }
0x16: {  	_ =	sdelay $0x1  }
0x17: {  	s2 =	sshll.u32 s0, $0x4;
	s0 =	sadd.s32 $0x1, s0;
	[tilespmem:v3+s10+$0x0] =	vst.idx.msk $0xffff, v2  }
0x18: {  	v3 =	vor.u32 s2, v1  }
0x19: {  	_ =	sdelay $0x3  }
0x1a: {  	[tilespmem:v3+s10+$0x0] =	vst.idx.msk $0xffff, v2;
	s0 =	simm.s32 $0x0  }
.LBB2_4:
0x1b: {  	s2 =	sshll.u32 s0, $0x8  }
0x1c: {  	s2 =	sadd.s32 s7, s2  }
0x1d: {  	s8 =	sadd.s32 s4, s2  }
0x1e: {  	[tilespmem:s31], [sflag:$0x2] =	stream.linear.gather [hbm4b:s8+s31], $0x800, $0x38;
	[tilespmem:$0x1A000] =	vst v63  }
0x1f: {  	_ =	swait.ge [sflag:s11], $0x800  }
0x20: {  	[sflag:s11] =	ssyncset.done $0x0  }
0x21: {  	s9 =	sadd.s32 s5, s2;
	[sflag:s11] =	ssyncadd.s32 $0xFFFFF800  }
0x22: {  	[tilespmem:s12], [sflag:$0x2] =	stream.linear.gather [hbm4b:s9+s31], $0x800, $0x38;
	[tilespmem:$0x1A000] =	vst v63  }
0x23: {  	_ =	swait.ge [sflag:s11], $0x800  }
0x24: {  	[sflag:s11] =	ssyncset.done $0x0  }
0x25: {  	v3 =	vor.u32 s31, v1;
	s2 =	sadd.s32 s6, s2;
	[sflag:s11] =	ssyncadd.s32 $0xFFFFF800  }
0x26: {  	[tilespmem:s13], [sflag:$0x2] =	stream.linear.gather [hbm4b:s2+s31], $0x800, $0x38;
	[tilespmem:$0x1A000] =	vst v63  }
0x27: {  	_ =	swait.ge [sflag:s11], $0x800  }
0x28: {  	[sflag:s11] =	ssyncset.done $0x0  }
0x29: {  	s17 =	simm.s32 $0x0;
	[sflag:s11] =	ssyncadd.s32 $0xFFFFF800  }
0x2a: {  	s18 =	sand.u32 $0x70, s31;
	s2 =	sand.u32 $0xFFFFFF80, s17;
	v3 =	vld.idx.msk [tilespmem:v3+s12+$0x0], $0xffff  }
0x2b: {  	s9 =	sor.u32 s18, s2  }
0x2c: {  	s2 =	simm.s32 $0x10;
	v4 =	vor.u32 s9, v1  }
0x2d: {  	s8 =	simm.s32 $0x1;
	v5 =	vor.u32 s2, v1;
	s9 =	simm.s32 $0x2  }
.LBB2_5:
0x2e: {  	p0 =	sne.s32 s9, $0x7F  }
0x2f: {  	v3 =	vshll.u32 v3, $0x3  }
0x30: {  	v3 =	vor.u32 v0, v3  }
0x31: {  	[tilespmem:v4+s14+$0x0] =	vst.idx.msk $0xffff, v3  }
.Ltmp1:
0x32: {  	s17 =	sshll.u32 s8, $0x4;
	s8 =	smov.u32 s9;
	v3 =	vld.idx.msk [tilespmem:v5+s12+$0x0], $0xffff;
	(pc) =	sbr.rel @p0 .LBB2_5-.Ltmp1, $4  }
0x33: {  	s18 =	sand.u32 $0x70, s2;
	s17 =	sand.u32 $0xFFFFFF80, s17  }
0x34: {  	s17 =	sor.u32 s18, s17  }
0x35: {  	s2 =	sadd.s32 $0x10, s2;
	v4 =	vor.u32 s17, v1  }
0x36: {  	s9 =	sadd.s32 $0x1, s9;
	v5 =	vor.u32 s2, v1  }
0x37: {  	_ =	sdelay $0x1  }
0x38: {  	v3 =	vshll.u32 v3, $0x3  }
0x39: {  	v3 =	vor.u32 v0, v3  }
0x3a: {  	s8 =	sshll.u32 s8, $0x4;
	[tilespmem:v4+s14+$0x0] =	vst.idx.msk $0xffff, v3  }
0x3b: {  	s2 =	sand.u32 $0x70, s2;
	s8 =	sand.u32 $0xFFFFFF80, s8;
	v3 =	vld.idx.msk [tilespmem:v5+s12+$0x0], $0xffff  }
0x3c: {  	s2 =	sor.u32 s2, s8  }
0x3d: {  	v4 =	vor.u32 s2, v1;
	_ =	sdelay $0x2  }
0x3e: {  	v3 =	vshll.u32 v3, $0x3  }
0x3f: {  	v3 =	vor.u32 v0, v3  }
0x40: {  	[tilespmem:v4+s14+$0x0] =	vst.idx.msk $0xffff, v3  }
0x41: {  	[tilespmem:s16], [sflag:$0x1] =	stream.indirect.gather [hbm4b:s1+s15], $0x10, s14, s15, $0xb8;
	[tilespmem:$0x1A000] =	vst v63  }
0x42: {  	s17 =	simm.s32 $0x1880;
	s18 =	simm.s32 $0x2800  }
0x43: {  	[tilespmem:s18], [sflag:$0x1] =	stream.indirect.gather [hbm4b:s1+s15], $0x10, s17, s15, $0xb8;
	[tilespmem:$0x1A000] =	vst v63  }
0x44: {  	s9 =	simm.s32 $0x3000;
	s8 =	simm.s32 $0x1900  }
0x45: {  	[tilespmem:s9], [sflag:$0x1] =	stream.indirect.gather [hbm4b:s1+s15], $0x10, s8, s15, $0xb8;
	[tilespmem:$0x1A000] =	vst v63  }
0x46: {  	s17 =	simm.s32 $0x1980;
	s18 =	simm.s32 $0x3800  }
0x47: {  	[tilespmem:s18], [sflag:$0x1] =	stream.indirect.gather [hbm4b:s1+s15], $0x10, s17, s15, $0xb8;
	[tilespmem:$0x1A000] =	vst v63  }
0x48: {  	s8 =	simm.s32 $0x1A00;
	s9 =	simm.s32 $0x4000  }
0x49: {  	[tilespmem:s9], [sflag:$0x1] =	stream.indirect.gather [hbm4b:s1+s15], $0x10, s8, s15, $0xb8;
	[tilespmem:$0x1A000] =	vst v63  }
0x4a: {  	s17 =	simm.s32 $0x1A80;
	s18 =	simm.s32 $0x4800  }
0x4b: {  	[tilespmem:s18], [sflag:$0x1] =	stream.indirect.gather [hbm4b:s1+s15], $0x10, s17, s15, $0xb8;
	[tilespmem:$0x1A000] =	vst v63  }
0x4c: {  	s8 =	simm.s32 $0x1B00;
	s9 =	simm.s32 $0x5000  }
0x4d: {  	[tilespmem:s9], [sflag:$0x1] =	stream.indirect.gather [hbm4b:s1+s15], $0x10, s8, s15, $0xb8;
	[tilespmem:$0x1A000] =	vst v63  }
0x4e: {  	s17 =	simm.s32 $0x1B80;
	s18 =	simm.s32 $0x5800  }
0x4f: {  	[tilespmem:s18], [sflag:$0x1] =	stream.indirect.gather [hbm4b:s1+s15], $0x10, s17, s15, $0xb8;
	[tilespmem:$0x1A000] =	vst v63  }
0x50: {  	s8 =	simm.s32 $0x1C00;
	s9 =	simm.s32 $0x6000  }
0x51: {  	[tilespmem:s9], [sflag:$0x1] =	stream.indirect.gather [hbm4b:s1+s15], $0x10, s8, s15, $0xb8;
	[tilespmem:$0x1A000] =	vst v63  }
0x52: {  	s17 =	simm.s32 $0x1C80;
	s18 =	simm.s32 $0x6800  }
0x53: {  	[tilespmem:s18], [sflag:$0x1] =	stream.indirect.gather [hbm4b:s1+s15], $0x10, s17, s15, $0xb8;
	[tilespmem:$0x1A000] =	vst v63  }
0x54: {  	s8 =	simm.s32 $0x1D00;
	s9 =	simm.s32 $0x7000  }
0x55: {  	[tilespmem:s9], [sflag:$0x1] =	stream.indirect.gather [hbm4b:s1+s15], $0x10, s8, s15, $0xb8;
	[tilespmem:$0x1A000] =	vst v63  }
0x56: {  	_ = 	snop  }
0x57: {  	[tilespmem:s20], [sflag:$0x1] =	stream.indirect.gather [hbm4b:s1+s15], $0x10, s19, s15, $0xb8;
	[tilespmem:$0x1A000] =	vst v63  }
0x58: {  	_ = 	snop  }
0x59: {  	[tilespmem:s22], [sflag:$0x1] =	stream.indirect.gather [hbm4b:s1+s15], $0x10, s21, s15, $0xb8;
	[tilespmem:$0x1A000] =	vst v63  }
0x5a: {  	_ = 	snop  }
0x5b: {  	[tilespmem:s24], [sflag:$0x1] =	stream.indirect.gather [hbm4b:s1+s15], $0x10, s23, s15, $0xb8;
	[tilespmem:$0x1A000] =	vst v63  }
0x5c: {  	_ = 	snop  }
0x5d: {  	[tilespmem:s26], [sflag:$0x1] =	stream.indirect.gather [hbm4b:s1+s15], $0x10, s25, s15, $0xb8;
	[tilespmem:$0x1A000] =	vst v63  }
0x5e: {  	_ = 	snop  }
0x5f: {  	[tilespmem:s29], [sflag:$0x1] =	stream.indirect.gather [hbm4b:s1+s15], $0x10, s28, s15, $0xb8;
	[tilespmem:$0x1A000] =	vst v63  }
0x60: {  	_ =	swait.ge [sflag:s30], $0x800  }
0x61: {  	[sflag:s30] =	ssyncset.done $0x0  }
0x62: {  	[sflag:s30] =	ssyncadd.s32 $0xFFFFF800  }
0x63: {  	_ =	swait.ge [sflag:s30], $0x800  }
0x64: {  	[sflag:s30] =	ssyncset.done $0x0  }
0x65: {  	[sflag:s30] =	ssyncadd.s32 $0xFFFFF800  }
0x66: {  	_ =	swait.ge [sflag:s30], $0x800  }
0x67: {  	[sflag:s30] =	ssyncset.done $0x0  }
0x68: {  	[sflag:s30] =	ssyncadd.s32 $0xFFFFF800  }
0x69: {  	_ =	swait.ge [sflag:s30], $0x800  }
0x6a: {  	[sflag:s30] =	ssyncset.done $0x0  }
0x6b: {  	[sflag:s30] =	ssyncadd.s32 $0xFFFFF800  }
0x6c: {  	_ =	swait.ge [sflag:s30], $0x800  }
0x6d: {  	[sflag:s30] =	ssyncset.done $0x0  }
0x6e: {  	[sflag:s30] =	ssyncadd.s32 $0xFFFFF800  }
0x6f: {  	_ =	swait.ge [sflag:s30], $0x800  }
0x70: {  	[sflag:s30] =	ssyncset.done $0x0  }
0x71: {  	[sflag:s30] =	ssyncadd.s32 $0xFFFFF800  }
0x72: {  	_ =	swait.ge [sflag:s30], $0x800  }
0x73: {  	[sflag:s30] =	ssyncset.done $0x0  }
0x74: {  	[sflag:s30] =	ssyncadd.s32 $0xFFFFF800  }
0x75: {  	_ =	swait.ge [sflag:s30], $0x800  }
0x76: {  	[sflag:s30] =	ssyncset.done $0x0  }
0x77: {  	[sflag:s30] =	ssyncadd.s32 $0xFFFFF800  }
0x78: {  	_ =	swait.ge [sflag:s30], $0x800  }
0x79: {  	[sflag:s30] =	ssyncset.done $0x0  }
0x7a: {  	[sflag:s30] =	ssyncadd.s32 $0xFFFFF800  }
0x7b: {  	_ =	swait.ge [sflag:s30], $0x800  }
0x7c: {  	[sflag:s30] =	ssyncset.done $0x0  }
0x7d: {  	[sflag:s30] =	ssyncadd.s32 $0xFFFFF800  }
0x7e: {  	_ =	swait.ge [sflag:s30], $0x800  }
0x7f: {  	[sflag:s30] =	ssyncset.done $0x0  }
0x80: {  	[sflag:s30] =	ssyncadd.s32 $0xFFFFF800  }
0x81: {  	_ =	swait.ge [sflag:s30], $0x800  }
0x82: {  	[sflag:s30] =	ssyncset.done $0x0  }
0x83: {  	[sflag:s30] =	ssyncadd.s32 $0xFFFFF800  }
0x84: {  	_ =	swait.ge [sflag:s30], $0x800  }
0x85: {  	[sflag:s30] =	ssyncset.done $0x0  }
0x86: {  	[sflag:s30] =	ssyncadd.s32 $0xFFFFF800  }
0x87: {  	_ =	swait.ge [sflag:s30], $0x800  }
0x88: {  	[sflag:s30] =	ssyncset.done $0x0  }
0x89: {  	[sflag:s30] =	ssyncadd.s32 $0xFFFFF800  }
0x8a: {  	s17 =	simm.s32 $0x0;
	_ =	swait.ge [sflag:s30], $0x800  }
0x8b: {  	v3 =	vmov s17;
	[sflag:s30] =	ssyncset.done $0x0  }
0x8c: {  	[sflag:s30] =	ssyncadd.s32 $0xFFFFF800  }
0x8d: {  	_ =	swait.ge [sflag:s30], $0x800  }
0x8e: {  	v4 =	vshll.u32 v3, $0x4;
	[sflag:s30] =	ssyncset.done $0x0  }
0x8f: {  	v6 =	vor.u32 v1, v4;
	[sflag:s30] =	ssyncadd.s32 $0xFFFFF800  }
0x90: {  	v5 =	vld.idx.msk [tilespmem:v3+s3+$0x0], $0xffff;
	_ =	sdelay $0x2  }
0x91: {  	v4 =	vld.idx.msk [tilespmem:v3+s13+$0x0], $0xffff  }
0x92: {  	v6 =	vld.idx.msk [tilespmem:v6+s16+$0x0], $0xffff  }
0x93: {  	v3 =	vshll.u32 v5, $0x4  }
0x94: {  	s18 =	simm.s32 $0x1;
	v5 =	vor.u32 v1, v3  }
0x95: {  	s2 =	simm.s32 $0x2;
	v3 =	vmov s18  }
.LBB2_7:
0x96: {  	p0 =	sne.s32 s2, $0x7FF  }
0x97: {  	v4 =	vmul.f32 v4, v6  }
0x98: {  	v6 =	vshll.u32 v3, $0x4  }
0x99: {  	v6 =	vor.u32 v1, v6;
	[tilespmem:v5+s10+$0x0] =	vst.idx.add.f32.msk $0xffff, v4  }
0x9a: {  	v5 =	vld.idx.msk [tilespmem:v3+s3+$0x0], $0xffff;
	_ =	sdelay $0x2  }
0x9b: {  	v4 =	vld.idx.msk [tilespmem:v3+s13+$0x0], $0xffff  }
.Ltmp2:
0x9c: {  	v6 =	vld.idx.msk [tilespmem:v6+s16+$0x0], $0xffff;
	(pc) =	sbr.rel @p0 .LBB2_7-.Ltmp2, $4  }
0x9d: {  	_ = 	snop  }
0x9e: {  	v3 =	vshll.u32 v5, $0x4  }
0x9f: {  	v5 =	vor.u32 v1, v3  }
0xa0: {  	v3 =	vmov s2;
	s2 =	sadd.s32 $0x1, s2  }
0xa1: {  	_ =	sdelay $0x1  }
0xa2: {  	v4 =	vmul.f32 v4, v6  }
0xa3: {  	v63 =	vshll.u32 v3, $0x4  }
0xa4: {  	v6 =	vor.u32 v1, v63;
	[tilespmem:v5+s10+$0x0] =	vst.idx.add.f32.msk $0xffff, v4  }
0xa5: {  	v4 =	vld.idx.msk [tilespmem:v3+s3+$0x0], $0xffff;
	_ =	sdelay $0x2  }
0xa6: {  	v3 =	vld.idx.msk [tilespmem:v3+s13+$0x0], $0xffff  }
0xa7: {  	v5 =	vld.idx.msk [tilespmem:v6+s16+$0x0], $0xffff  }
0xa8: {  	s0 =	sadd.s32 $0x1, s0;
	v4 =	vshll.u32 v4, $0x4  }
0xa9: {  	p0 =	sne.s32 s0, $0x10;
	v4 =	vor.u32 v1, v4  }
.Ltmp3:
0xaa: {  	_ = 	snop;
	(pc) =	sbr.rel @p0 .LBB2_4-.Ltmp3, $3  }
0xab: {  	_ = 	snop  }
0xac: {  	v3 =	vmul.f32 v3, v5;
	_ =	sdelay $0x1  }
0xad: {  	[tilespmem:v4+s10+$0x0] =	vst.idx.add.f32.msk $0xffff, v3  }
0xae: {  	s0 =	rddreg [dreg:$0x3];
	s2 =	simm.s32 $0x10  }
0xaf: {  	[hbm4b:s0+s2] =	stream.strided.scatter [tilespmem:s10], [sflag:$0x2], $0x10000, s15, s2, $0x38;
	[tilespmem:$0x1A000] =	vst v63  }
0xb0: {  	_ =	swait.ge [sflag:s11], $0x10000  }
0xb1: {  	s17 =	rddreg [dreg:$0x5]  }
0xb2: {  	s18 =	rddreg [dreg:$0x4];
	s2 =	sadd.s32 $0x1, s17  }
0xb3: {  	p0 =	sne.s32 s2, s18  }
.Ltmp4:
0xb4: {  	_ = 	snop;
	(pc) =	sbr.rel @p0 .LBB2_1-.Ltmp4, $3  }
0xb5: {  	_ =	sdelay $0x1  }
0xb6: {  	[sflag:s11] =	ssyncset.done $0x0  }
0xb7: {  	[sflag:s11] =	ssyncadd.s32 $0xFFFF0000  }
0xb8: {  	_ =	sfence.sel $0x180000  }
0xb9: {  	[bflag:$0x0] =	sbarrier.arrive $0xFFFF  }
0xba: {  	_ =	strace $0x9000004A  }
0xbb: {  	s0 =	stileid.u32;
	[bflag:$0x2] =	sbarrier.arrive $0xFFFF  }
0xbc: {  	p0 =	sne.s32 s0, $0x0;
	s0 =	rddreg [dreg:$0x2]  }
0xbd: {  	s0 =	sadd.s32 @!p0 $0x100000, s0  }
0xbe: {  	[sflag:s0] =	ssyncadd.tile.s32 @!p0 $0x1;
	_ =	shalt  }
.Lfunc_end2:
_tile_overlayer_lowered:
.L_overlay_start_2:
0xbf: {  	(tag) =	ssettag $0x2  }
0xc0: {  	s0 =	rddreg [dreg:$0x0];
	s2 =	stileid.u32  }
0xc1: {  	s1 =	rddreg [dreg:$0x1];
	p0 =	sne.s32 s2, $0x0  }
0xc2: {  	s3 =	rddreg [dreg:$0x2];
	[bflag:$0x3] =	sbarrier.arrive $0xFFFF;
	s2 =	simm.s32 @!p0 $0x1C02  }
0xc3: {  	[timem:s3], [sflag:s2] =	dma.local @!p0 [hbm:s0], s1  }
0xc4: {  	s0 =	simm.s32 @!p0 $0x2  }
0xc5: {  	_ =	swait.ge @!p0 [sflag:s0], s1  }
0xc6: {  	s1 =	ssub.s32 @!p0 $0x0, s1;
	[sflag:s0] =	ssyncset.done @!p0 $0x0  }
0xc7: {  	[sflag:s0] =	ssyncadd.s32 @!p0 s1  }
0xc8: {  	[bflag:$0x3] =	sbarrier.arrive $0xFFFF  }
0xc9: {  	_ =	shalt  }

</sc_bundles>
